<compile_context>
chip_gen: v7x
topology: tpu7x:2x2x1
jax: 0.10.2.dev20260603
libtpu: 0.0.44.dev20260713+nightly
codegen_flags: <defaults>
</compile_context>

<pallas_src>
import dataclasses
import functools

import jax
import jax.numpy as jnp
from jax import lax
from jax.experimental import pallas as pl
from jax.experimental.pallas import tpu as pltpu
from jax.experimental.pallas import tpu_sc as plsc

N = 10000
E = 320000
D = 128

NC = 2
NS = 16
NW = NC * NS
CHUNK = 128
SEG = 40
NSEG = 2
ITERS = SEG * NSEG
EPAD = NW * ITERS * CHUNK
NPAD = 10240
ROWS_PER_TILE = NPAD // NS
ZBLK = CHUNK
NBLK = ROWS_PER_TILE // ZBLK


def _sc_aggregate(feature, src_idx, dst_idx):
    mesh = plsc.VectorSubcoreMesh(core_axis_name="c", subcore_axis_name="s")

    @functools.partial(
        pl.kernel,
        out_type=jax.ShapeDtypeStruct((NC, NPAD, D), jnp.float32),
        mesh=mesh,
        scratch_types=[
            pltpu.VMEM_SHARED((NPAD, D), jnp.float32),
            pltpu.VMEM((SEG, CHUNK), jnp.int32),
            pltpu.VMEM((SEG, CHUNK), jnp.int32),
            pltpu.VMEM((CHUNK, D), jnp.float32),
            pltpu.VMEM((CHUNK, D), jnp.float32),
            pltpu.SemaphoreType.DMA,
            pltpu.SemaphoreType.DMA,
        ],
    )
    def k(feat_hbm, src_hbm, dst_hbm, pacc_hbm,
          acc_sh, src_v, dst_v, rows0_v, rows1_v, gsem, ssem):
        c = lax.axis_index("c")
        s = lax.axis_index("s")
        w = c * NS + s
        row0 = s * ROWS_PER_TILE

        def wait_g(buf):
            pltpu.make_async_copy(feat_hbm.at[pl.ds(0, CHUNK)], buf,
                                  gsem).wait()

        def wait_s(buf):
            pltpu.make_async_copy(feat_hbm.at[pl.ds(0, CHUNK)], buf,
                                  ssem).wait()

        def fill(buf, val):
            @pl.loop(0, ZBLK)
            def _(r):
                @pl.loop(0, D, step=16)
                def _(col):
                    buf.at[pl.ds(r, 1), pl.ds(col, 16)][...] = jnp.full(
                        (1, 16), val, jnp.float32)

        fill(rows0_v, 0.0)
        for kblk in range(NBLK):
            pltpu.async_copy(rows0_v,
                             acc_sh.at[pl.ds(row0 + kblk * ZBLK, ZBLK)],
                             ssem)
        for kblk in range(NBLK):
            wait_s(rows0_v)
        plsc.subcore_barrier()

        @pl.loop(0, NSEG)
        def _(g):
            pltpu.sync_copy(src_hbm.at[w].at[g], src_v)
            pltpu.sync_copy(dst_hbm.at[w].at[g], dst_v)
            pltpu.async_copy(feat_hbm.at[src_v.at[0]], rows0_v, gsem)

            @pl.loop(0, SEG, step=2)
            def _(i):
                @pl.when(i > 0)
                def _():
                    wait_s(rows1_v)
                wait_g(rows0_v)
                pltpu.async_copy(rows0_v, acc_sh.at[dst_v.at[i]], ssem,
                                 add=True)
                pltpu.async_copy(feat_hbm.at[src_v.at[i + 1]], rows1_v,
                                 gsem)
                wait_s(rows0_v)
                wait_g(rows1_v)
                pltpu.async_copy(rows1_v, acc_sh.at[dst_v.at[i + 1]], ssem,
                                 add=True)

                @pl.when(i + 2 < SEG)
                def _():
                    pltpu.async_copy(feat_hbm.at[src_v.at[i + 2]], rows0_v,
                                     gsem)

            wait_s(rows1_v)

        plsc.subcore_barrier()
        for kblk in range(NBLK):
            r0 = row0 + kblk * ZBLK
            pltpu.sync_copy(acc_sh.at[pl.ds(r0, ZBLK)], rows0_v)
            pltpu.sync_copy(rows0_v, pacc_hbm.at[c].at[pl.ds(r0, ZBLK)])

    return k(feature, src_idx, dst_idx)


def _sc_count_hist(dst_flat):
    mesh = plsc.VectorSubcoreMesh(core_axis_name="c", subcore_axis_name="s")
    cp = pltpu.CompilerParams()
    if "needs_layout_passes" in pltpu.CompilerParams.__dataclass_fields__:
        cp = dataclasses.replace(cp, needs_layout_passes=False)

    @functools.partial(
        pl.kernel,
        out_type=jax.ShapeDtypeStruct((NW, NPAD), jnp.float32),
        mesh=mesh,
        compiler_params=cp,
        scratch_types=[
            pltpu.VMEM((SEG * CHUNK,), jnp.int32),
            pltpu.VMEM((NPAD,), jnp.float32),
        ],
    )
    def k(dst_hbm, pcnt_hbm, dst_f, hist_v):
        c = lax.axis_index("c")
        s = lax.axis_index("s")
        w = c * NS + s

        @pl.loop(0, NPAD, step=16)
        def _(j):
            hist_v.at[pl.ds(j, 16)][...] = jnp.zeros((16,), jnp.float32)

        ones16 = jnp.ones((16,), jnp.float32)

        @pl.loop(0, NSEG)
        def _(g):
            pltpu.sync_copy(dst_hbm.at[w].at[g], dst_f)

            @pl.loop(0, SEG * CHUNK, step=16)
            def _(j):
                idx16 = dst_f.at[pl.ds(j, 16)][...]
                plsc.addupdate_scatter(hist_v, [idx16], ones16)

        pltpu.sync_copy(hist_v, pcnt_hbm.at[w])

    return k(dst_flat)


def _tc_combine(pacc, pcnt, feature, W_l, b_l, W_r):
    def body(pacc_ref, pcnt_ref, feat_ref, wl_ref, bl_ref, wr_ref,
             out_ref):
        acc = pacc_ref[0] + pacc_ref[1]
        cnt = jnp.sum(pcnt_ref[...], axis=0).reshape(NPAD, 1)
        mean = (acc / jnp.maximum(cnt, 1.0))[:N]
        out_ref[...] = (
            jnp.dot(mean, wl_ref[...], preferred_element_type=jnp.float32)
            + bl_ref[...]
            + jnp.dot(feat_ref[...], wr_ref[...],
                      preferred_element_type=jnp.float32)
        )

    return pl.pallas_call(
        body,
        out_shape=jax.ShapeDtypeStruct((N, D), jnp.float32),
    )(pacc, pcnt, feature, W_l, b_l, W_r)


def kernel(feature, edge_index, W_l, b_l, W_r):
    npad_idx = jnp.arange(EPAD - E, dtype=jnp.int32)
    src = jnp.concatenate([edge_index[0], npad_idx % N])
    dst = jnp.concatenate([edge_index[1], N + npad_idx % (NPAD - N)])
    src = src.reshape(NW, NSEG, SEG, CHUNK)
    dst = dst.reshape(NW, NSEG, SEG, CHUNK)
    pacc = _sc_aggregate(feature, src, dst)
    pcnt = _sc_count_hist(dst.reshape(NW, NSEG, SEG * CHUNK))
    return _tc_combine(pacc, pcnt, feature, W_l, b_l.reshape(1, D), W_r)

# --- scband reference (transcript-rebuilt; emitter-appended) ---
"""Pipeline reference for scband-emily-sage-bond-87703232184757 (READ-ONLY COPY).

The authoritative reference and input builder live on the scoring server;
editing this copy changes nothing except your own understanding.
"""

import jax, jax.numpy as jnp
import numpy as np

N = 10000
E = 320000
D = 128

def setup_inputs(seed: int = 0) -> dict:
    key = jax.random.key(seed)
    k1, k2, k3, k4, k5 = jax.random.split(key, 5)
    feature = jax.random.normal(k1, (N, D), dtype=jnp.float32)
    edge_index = jax.random.randint(k2, (2, E), 0, N, dtype=jnp.int32)
    # SAGEConv parameters (PyG default: mean aggregation, root_weight=True)
    # lin_l: applied to aggregated neighbor features (with bias)
    # lin_r: applied to root/self features (no bias)
    scale = 1.0 / np.sqrt(D)
    W_l = jax.random.normal(k3, (D, D), dtype=jnp.float32) * scale
    b_l = jnp.zeros((D,), dtype=jnp.float32)
    W_r = jax.random.normal(k4, (D, D), dtype=jnp.float32) * scale
    return {"feature": feature, "edge_index": edge_index, "W_l": W_l, "b_l": b_l, "W_r": W_r}

def reference(feature, edge_index, W_l, b_l, W_r):
    # PyG SAGEConv with mean aggregation:
    # out = lin_l(mean_{j in N(i)} x_j) + lin_r(x_i)
    src = edge_index[0]
    dst = edge_index[1]
    msgs = jnp.take(feature, src, axis=0)              # gather x_j  [E, D]
    agg = jax.ops.segment_sum(msgs, dst, num_segments=N)  # scatter-add at dst
    cnt = jax.ops.segment_sum(jnp.ones((E, 1), dtype=feature.dtype), dst, num_segments=N)
    mean_agg = agg / jnp.clip(cnt, 1.0, None)
    out = mean_agg @ W_l + b_l + feature @ W_r
    return out

if __name__ == "__main__":
    import jax
    _d = setup_inputs()
    print(jax.jit(kernel)(*tuple(_d.values())))

</pallas_src>

<mosaic_0001>
#map = affine_map<(d0, d1) -> (0, 0)>
#map1 = affine_map<(d0, d1) -> (0, 0, 0, 0)>
#map2 = affine_map<(d0, d1) -> (0, 0, 0)>
module attributes {stable_mosaic.version = 14 : i64} {
  func.func @k(%arg0: i32, %arg1: i32, %arg2: memref<10000x128xf32, #tpu.memory_space<hbm>>, %arg3: memref<32x2x40x128xi32, #tpu.memory_space<hbm>>, %arg4: memref<32x2x40x128xi32, #tpu.memory_space<hbm>>, %arg5: memref<2x10240x128xf32, #tpu.memory_space<hbm>>, %arg6: memref<10240x128xf32, #tpu.memory_space<vmem_shared>>, %arg7: memref<40x128xi32, #tpu.memory_space<vmem>>, %arg8: memref<40x128xi32, #tpu.memory_space<vmem>>, %arg9: memref<128x128xf32, #tpu.memory_space<vmem>>, %arg10: memref<128x128xf32, #tpu.memory_space<vmem>>, %arg11: memref<!tpu.dma_semaphore, #tpu.memory_space<semaphore_mem>>, %arg12: memref<!tpu.dma_semaphore, #tpu.memory_space<semaphore_mem>>) attributes {dimension_semantics = [#tpu.dimension_semantics<core_parallel>, #tpu.dimension_semantics<subcore_parallel>], iteration_bounds = array<i64: 2, 16>, scalar_prefetch = 0 : i64, scratch_operands = 7 : i64, tpu.core_type = #tpu.core_type<sc_vector_subcore>, window_params = [{transform_indices = #map}, {transform_indices = #map1}, {transform_indices = #map1}, {transform_indices = #map2}]} {
    %mul3A = arith.constant 16 : i32
    %mul3A_0 = arith.muli %arg0, %mul3A : i32
    %add3A = arith.addi %mul3A_0, %arg1 : i32
    %mul3A_1 = arith.constant 640 : i32
    %mul3A_2 = arith.muli %arg1, %mul3A_1 : i32
    %scan3A = arith.constant 0 : i32
    %scan3A_3 = arith.constant 128 : i32
    %scan3A_4 = arith.addi %scan3A, %scan3A_3 : i32
    %scan3A_5 = arith.constant 1 : i32
    scf.for %scan3A_81 = %scan3A to %scan3A_4 step %scan3A_5  : i32 {
      %mul3A_82 = arith.constant 1 : i32
      %mul3A_83 = arith.muli %scan3A_81, %mul3A_82 : i32
      %add3A_84 = arith.constant 0 : i32
      %add3A_85 = arith.addi %add3A_84, %mul3A_83 : i32
      %scan3A_86 = arith.constant 0 : i32
      %scan3A_87 = arith.constant 8 : i32
      %scan3A_88 = arith.addi %scan3A_86, %scan3A_87 : i32
      %scan3A_89 = arith.constant 1 : i32
      scf.for %scan3A_91 = %scan3A_86 to %scan3A_88 step %scan3A_89  : i32 {
        %mul3A_92 = arith.constant 16 : i32
        %mul3A_93 = arith.muli %scan3A_91, %mul3A_92 : i32
        %add3A_94 = arith.constant 0 : i32
        %add3A_95 = arith.addi %add3A_94, %mul3A_93 : i32
        %broadcast_in_dim3A = arith.constant 0.000000e+00 : f32
        %broadcast_in_dim3A_96 = vector.broadcast %broadcast_in_dim3A : f32 to vector<1x16xf32>
        %swap3A = arith.index_cast %add3A_85 : i32 to index
        %swap3A_97 = arith.index_cast %add3A_95 : i32 to index
        %swap3A_98 = tpu.vector_load %arg9[%swap3A, %swap3A_97] {strides = array<i32>} : memref<128x128xf32, #tpu.memory_space<vmem>>, vector<1x16xf32>,
        %swap3A_99 = vector.shape_cast %swap3A_98 : vector<1x16xf32> to vector<1x16xf32>
        %swap3A_100 = vector.shape_cast %broadcast_in_dim3A_96 : vector<1x16xf32> to vector<1x16xf32>
        tpu.vector_store %arg9[%swap3A, %swap3A_97], %swap3A_100 {strides = array<i32>} : memref<128x128xf32, #tpu.memory_space<vmem>>, vector<1x16xf32>,
      }
      %scan3A_90 = arith.constant 8 : i32
    }
    %scan3A_6 = arith.constant 128 : i32
    %add3A_7 = arith.constant 0 : i32
    %add3A_8 = arith.addi %mul3A_2, %add3A_7 : i32
    %dma_start3A = arith.constant 0 : i32
    %dma_start3A_9 = tpu.memref_slice %arg6[%add3A_8, %dma_start3A] : memref<10240x128xf32, #tpu.memory_space<vmem_shared>> -> memref<128x128xf32, #tpu.memory_space<vmem_shared>>
    %dma_start3A_10 = arith.constant 0 : i32
    %dma_start3A_11 = tpu.memref_slice %arg6[%add3A_8, %dma_start3A_10] : memref<10240x128xf32, #tpu.memory_space<vmem_shared>> -> memref<128x128xf32, #tpu.memory_space<vmem_shared>>
    tpu.enqueue_dma source(%arg9 : memref<128x128xf32, #tpu.memory_space<vmem>>) target(%dma_start3A_11 : memref<128x128xf32, #tpu.memory_space<vmem_shared>>) target_semaphore(%arg12 : memref<!tpu.dma_semaphore, #tpu.memory_space<semaphore_mem>>)
    %add3A_12 = arith.constant 128 : i32
    %add3A_13 = arith.addi %mul3A_2, %add3A_12 : i32
    %dma_start3A_14 = arith.constant 0 : i32
    %dma_start3A_15 = tpu.memref_slice %arg6[%add3A_13, %dma_start3A_14] : memref<10240x128xf32, #tpu.memory_space<vmem_shared>> -> memref<128x128xf32, #tpu.memory_space<vmem_shared>>
    %dma_start3A_16 = arith.constant 0 : i32
    %dma_start3A_17 = tpu.memref_slice %arg6[%add3A_13, %dma_start3A_16] : memref<10240x128xf32, #tpu.memory_space<vmem_shared>> -> memref<128x128xf32, #tpu.memory_space<vmem_shared>>
    tpu.enqueue_dma source(%arg9 : memref<128x128xf32, #tpu.memory_space<vmem>>) target(%dma_start3A_17 : memref<128x128xf32, #tpu.memory_space<vmem_shared>>) target_semaphore(%arg12 : memref<!tpu.dma_semaphore, #tpu.memory_space<semaphore_mem>>)
    %add3A_18 = arith.constant 256 : i32
    %add3A_19 = arith.addi %mul3A_2, %add3A_18 : i32
    %dma_start3A_20 = arith.constant 0 : i32
    %dma_start3A_21 = tpu.memref_slice %arg6[%add3A_19, %dma_start3A_20] : memref<10240x128xf32, #tpu.memory_space<vmem_shared>> -> memref<128x128xf32, #tpu.memory_space<vmem_shared>>
    %dma_start3A_22 = arith.constant 0 : i32
    %dma_start3A_23 = tpu.memref_slice %arg6[%add3A_19, %dma_start3A_22] : memref<10240x128xf32, #tpu.memory_space<vmem_shared>> -> memref<128x128xf32, #tpu.memory_space<vmem_shared>>
    tpu.enqueue_dma source(%arg9 : memref<128x128xf32, #tpu.memory_space<vmem>>) target(%dma_start3A_23 : memref<128x128xf32, #tpu.memory_space<vmem_shared>>) target_semaphore(%arg12 : memref<!tpu.dma_semaphore, #tpu.memory_space<semaphore_mem>>)
    %add3A_24 = arith.constant 384 : i32
    %add3A_25 = arith.addi %mul3A_2, %add3A_24 : i32
    %dma_start3A_26 = arith.constant 0 : i32
    %dma_start3A_27 = tpu.memref_slice %arg6[%add3A_25, %dma_start3A_26] : memref<10240x128xf32, #tpu.memory_space<vmem_shared>> -> memref<128x128xf32, #tpu.memory_space<vmem_shared>>
    %dma_start3A_28 = arith.constant 0 : i32
    %dma_start3A_29 = tpu.memref_slice %arg6[%add3A_25, %dma_start3A_28] : memref<10240x128xf32, #tpu.memory_space<vmem_shared>> -> memref<128x128xf32, #tpu.memory_space<vmem_shared>>
    tpu.enqueue_dma source(%arg9 : memref<128x128xf32, #tpu.memory_space<vmem>>) target(%dma_start3A_29 : memref<128x128xf32, #tpu.memory_space<vmem_shared>>) target_semaphore(%arg12 : memref<!tpu.dma_semaphore, #tpu.memory_space<semaphore_mem>>)
    %add3A_30 = arith.constant 512 : i32
    %add3A_31 = arith.addi %mul3A_2, %add3A_30 : i32
    %dma_start3A_32 = arith.constant 0 : i32
    %dma_start3A_33 = tpu.memref_slice %arg6[%add3A_31, %dma_start3A_32] : memref<10240x128xf32, #tpu.memory_space<vmem_shared>> -> memref<128x128xf32, #tpu.memory_space<vmem_shared>>
    %dma_start3A_34 = arith.constant 0 : i32
    %dma_start3A_35 = tpu.memref_slice %arg6[%add3A_31, %dma_start3A_34] : memref<10240x128xf32, #tpu.memory_space<vmem_shared>> -> memref<128x128xf32, #tpu.memory_space<vmem_shared>>
    tpu.enqueue_dma source(%arg9 : memref<128x128xf32, #tpu.memory_space<vmem>>) target(%dma_start3A_35 : memref<128x128xf32, #tpu.memory_space<vmem_shared>>) target_semaphore(%arg12 : memref<!tpu.dma_semaphore, #tpu.memory_space<semaphore_mem>>)
    %dma_wait3A = arith.constant 0 : i32
    %dma_wait3A_36 = arith.constant 0 : i32
    %dma_wait3A_37 = tpu.memref_slice %arg2[%dma_wait3A, %dma_wait3A_36] : memref<10000x128xf32, #tpu.memory_space<hbm>> -> memref<128x128xf32, #tpu.memory_space<hbm>>
    %dma_wait3A_38 = arith.constant 0 : i32
    %dma_wait3A_39 = arith.constant 0 : i32
    %dma_wait3A_40 = tpu.memref_slice %arg2[%dma_wait3A_38, %dma_wait3A_39] : memref<10000x128xf32, #tpu.memory_space<hbm>> -> memref<128x128xf32, #tpu.memory_space<hbm>>
    tpu.wait_dma2 semaphore(%arg12 : memref<!tpu.dma_semaphore, #tpu.memory_space<semaphore_mem>>) src(%dma_wait3A_40 : memref<128x128xf32, #tpu.memory_space<hbm>>) dst(%arg9 : memref<128x128xf32, #tpu.memory_space<vmem>>)
    %dma_wait3A_41 = arith.constant 0 : i32
    %dma_wait3A_42 = arith.constant 0 : i32
    %dma_wait3A_43 = tpu.memref_slice %arg2[%dma_wait3A_41, %dma_wait3A_42] : memref<10000x128xf32, #tpu.memory_space<hbm>> -> memref<128x128xf32, #tpu.memory_space<hbm>>
    %dma_wait3A_44 = arith.constant 0 : i32
    %dma_wait3A_45 = arith.constant 0 : i32
    %dma_wait3A_46 = tpu.memref_slice %arg2[%dma_wait3A_44, %dma_wait3A_45] : memref<10000x128xf32, #tpu.memory_space<hbm>> -> memref<128x128xf32, #tpu.memory_space<hbm>>
    tpu.wait_dma2 semaphore(%arg12 : memref<!tpu.dma_semaphore, #tpu.memory_space<semaphore_mem>>) src(%dma_wait3A_46 : memref<128x128xf32, #tpu.memory_space<hbm>>) dst(%arg9 : memref<128x128xf32, #tpu.memory_space<vmem>>)
    %dma_wait3A_47 = arith.constant 0 : i32
    %dma_wait3A_48 = arith.constant 0 : i32
    %dma_wait3A_49 = tpu.memref_slice %arg2[%dma_wait3A_47, %dma_wait3A_48] : memref<10000x128xf32, #tpu.memory_space<hbm>> -> memref<128x128xf32, #tpu.memory_space<hbm>>
    %dma_wait3A_50 = arith.constant 0 : i32
    %dma_wait3A_51 = arith.constant 0 : i32
    %dma_wait3A_52 = tpu.memref_slice %arg2[%dma_wait3A_50, %dma_wait3A_51] : memref<10000x128xf32, #tpu.memory_space<hbm>> -> memref<128x128xf32, #tpu.memory_space<hbm>>
    tpu.wait_dma2 semaphore(%arg12 : memref<!tpu.dma_semaphore, #tpu.memory_space<semaphore_mem>>) src(%dma_wait3A_52 : memref<128x128xf32, #tpu.memory_space<hbm>>) dst(%arg9 : memref<128x128xf32, #tpu.memory_space<vmem>>)
    %dma_wait3A_53 = arith.constant 0 : i32
    %dma_wait3A_54 = arith.constant 0 : i32
    %dma_wait3A_55 = tpu.memref_slice %arg2[%dma_wait3A_53, %dma_wait3A_54] : memref<10000x128xf32, #tpu.memory_space<hbm>> -> memref<128x128xf32, #tpu.memory_space<hbm>>
    %dma_wait3A_56 = arith.constant 0 : i32
    %dma_wait3A_57 = arith.constant 0 : i32
    %dma_wait3A_58 = tpu.memref_slice %arg2[%dma_wait3A_56, %dma_wait3A_57] : memref<10000x128xf32, #tpu.memory_space<hbm>> -> memref<128x128xf32, #tpu.memory_space<hbm>>
    tpu.wait_dma2 semaphore(%arg12 : memref<!tpu.dma_semaphore, #tpu.memory_space<semaphore_mem>>) src(%dma_wait3A_58 : memref<128x128xf32, #tpu.memory_space<hbm>>) dst(%arg9 : memref<128x128xf32, #tpu.memory_space<vmem>>)
    %dma_wait3A_59 = arith.constant 0 : i32
    %dma_wait3A_60 = arith.constant 0 : i32
    %dma_wait3A_61 = tpu.memref_slice %arg2[%dma_wait3A_59, %dma_wait3A_60] : memref<10000x128xf32, #tpu.memory_space<hbm>> -> memref<128x128xf32, #tpu.memory_space<hbm>>
    %dma_wait3A_62 = arith.constant 0 : i32
    %dma_wait3A_63 = arith.constant 0 : i32
    %dma_wait3A_64 = tpu.memref_slice %arg2[%dma_wait3A_62, %dma_wait3A_63] : memref<10000x128xf32, #tpu.memory_space<hbm>> -> memref<128x128xf32, #tpu.memory_space<hbm>>
    tpu.wait_dma2 semaphore(%arg12 : memref<!tpu.dma_semaphore, #tpu.memory_space<semaphore_mem>>) src(%dma_wait3A_64 : memref<128x128xf32, #tpu.memory_space<hbm>>) dst(%arg9 : memref<128x128xf32, #tpu.memory_space<vmem>>)
    %barrier3A = arith.constant 0 : index
    tpu.barrier barrier_id(%barrier3A)
    %scan3A_65 = arith.constant 0 : i32
    %scan3A_66 = arith.constant 2 : i32
    %scan3A_67 = arith.addi %scan3A_65, %scan3A_66 : i32
    %scan3A_68 = arith.constant 1 : i32
    scf.for %scan3A_81 = %scan3A_65 to %scan3A_67 step %scan3A_68  : i32 {
      %mul3A_82 = arith.constant 1 : i32
      %mul3A_83 = arith.muli %scan3A_81, %mul3A_82 : i32
      %add3A_84 = arith.constant 0 : i32
      %add3A_85 = arith.addi %add3A_84, %mul3A_83 : i32
      "tpu.region"() ({
        %run_scoped3A = tpu.sem_alloc : memref<!tpu.dma_semaphore, #tpu.memory_space<semaphore_mem>>
        %dma_start3A_104 = arith.constant 0 : i32
        %dma_start3A_105 = arith.constant 0 : i32
        %dma_start3A_106 = arith.constant 0 : i32
        %dma_start3A_107 = tpu.memref_slice %arg3[%add3A, %dma_start3A_104, %dma_start3A_105, %dma_start3A_106] : memref<32x2x40x128xi32, #tpu.memory_space<hbm>> -> memref<1x2x40x128xi32, #tpu.memory_space<hbm>>
        %dma_start3A_108 = tpu.memref_squeeze %dma_start3A_107 : memref<1x2x40x128xi32, #tpu.memory_space<hbm>> -> memref<2x40x128xi32, #tpu.memory_space<hbm>>
        %dma_start3A_109 = arith.constant 0 : i32
        %dma_start3A_110 = arith.constant 0 : i32
        %dma_start3A_111 = tpu.memref_slice %dma_start3A_108[%add3A_85, %dma_start3A_109, %dma_start3A_110] : memref<2x40x128xi32, #tpu.memory_space<hbm>> -> memref<1x40x128xi32, #tpu.memory_space<hbm>>
        %dma_start3A_112 = tpu.memref_squeeze %dma_start3A_111 : memref<1x40x128xi32, #tpu.memory_space<hbm>> -> memref<40x128xi32, #tpu.memory_space<hbm>>
        %dma_start3A_113 = arith.constant 0 : i32
        %dma_start3A_114 = arith.constant 0 : i32
        %dma_start3A_115 = arith.constant 0 : i32
        %dma_start3A_116 = tpu.memref_slice %arg3[%add3A, %dma_start3A_113, %dma_start3A_114, %dma_start3A_115] : memref<32x2x40x128xi32, #tpu.memory_space<hbm>> -> memref<1x2x40x128xi32, #tpu.memory_space<hbm>>
        %dma_start3A_117 = tpu.memref_squeeze %dma_start3A_116 : memref<1x2x40x128xi32, #tpu.memory_space<hbm>> -> memref<2x40x128xi32, #tpu.memory_space<hbm>>
        %dma_start3A_118 = arith.constant 0 : i32
        %dma_start3A_119 = arith.constant 0 : i32
        %dma_start3A_120 = tpu.memref_slice %dma_start3A_117[%add3A_85, %dma_start3A_118, %dma_start3A_119] : memref<2x40x128xi32, #tpu.memory_space<hbm>> -> memref<1x40x128xi32, #tpu.memory_space<hbm>>
        %dma_start3A_121 = tpu.memref_squeeze %dma_start3A_120 : memref<1x40x128xi32, #tpu.memory_space<hbm>> -> memref<40x128xi32, #tpu.memory_space<hbm>>
        tpu.enqueue_dma source(%dma_start3A_121 : memref<40x128xi32, #tpu.memory_space<hbm>>) target(%arg7 : memref<40x128xi32, #tpu.memory_space<vmem>>) target_semaphore(%run_scoped3A : memref<!tpu.dma_semaphore, #tpu.memory_space<semaphore_mem>>)
        %dma_wait3A_122 = arith.constant 0 : i32
        %dma_wait3A_123 = arith.constant 0 : i32
        %dma_wait3A_124 = arith.constant 0 : i32
        %dma_wait3A_125 = tpu.memref_slice %arg3[%add3A, %dma_wait3A_122, %dma_wait3A_123, %dma_wait3A_124] : memref<32x2x40x128xi32, #tpu.memory_space<hbm>> -> memref<1x2x40x128xi32, #tpu.memory_space<hbm>>
        %dma_wait3A_126 = tpu.memref_squeeze %dma_wait3A_125 : memref<1x2x40x128xi32, #tpu.memory_space<hbm>> -> memref<2x40x128xi32, #tpu.memory_space<hbm>>
        %dma_wait3A_127 = arith.constant 0 : i32
        %dma_wait3A_128 = arith.constant 0 : i32
        %dma_wait3A_129 = tpu.memref_slice %dma_wait3A_126[%add3A_85, %dma_wait3A_127, %dma_wait3A_128] : memref<2x40x128xi32, #tpu.memory_space<hbm>> -> memref<1x40x128xi32, #tpu.memory_space<hbm>>
        %dma_wait3A_130 = tpu.memref_squeeze %dma_wait3A_129 : memref<1x40x128xi32, #tpu.memory_space<hbm>> -> memref<40x128xi32, #tpu.memory_space<hbm>>
        %dma_wait3A_131 = arith.constant 0 : i32
        %dma_wait3A_132 = arith.constant 0 : i32
        %dma_wait3A_133 = arith.constant 0 : i32
        %dma_wait3A_134 = tpu.memref_slice %arg3[%add3A, %dma_wait3A_131, %dma_wait3A_132, %dma_wait3A_133] : memref<32x2x40x128xi32, #tpu.memory_space<hbm>> -> memref<1x2x40x128xi32, #tpu.memory_space<hbm>>
        %dma_wait3A_135 = tpu.memref_squeeze %dma_wait3A_134 : memref<1x2x40x128xi32, #tpu.memory_space<hbm>> -> memref<2x40x128xi32, #tpu.memory_space<hbm>>
        %dma_wait3A_136 = arith.constant 0 : i32
        %dma_wait3A_137 = arith.constant 0 : i32
        %dma_wait3A_138 = tpu.memref_slice %dma_wait3A_135[%add3A_85, %dma_wait3A_136, %dma_wait3A_137] : memref<2x40x128xi32, #tpu.memory_space<hbm>> -> memref<1x40x128xi32, #tpu.memory_space<hbm>>
        %dma_wait3A_139 = tpu.memref_squeeze %dma_wait3A_138 : memref<1x40x128xi32, #tpu.memory_space<hbm>> -> memref<40x128xi32, #tpu.memory_space<hbm>>
        tpu.wait_dma2 semaphore(%run_scoped3A : memref<!tpu.dma_semaphore, #tpu.memory_space<semaphore_mem>>) src(%dma_wait3A_139 : memref<40x128xi32, #tpu.memory_space<hbm>>) dst(%arg7 : memref<40x128xi32, #tpu.memory_space<vmem>>)
        tpu.yield
      }) : () -> ()
      "tpu.region"() ({
        %run_scoped3A = tpu.sem_alloc : memref<!tpu.dma_semaphore, #tpu.memory_space<semaphore_mem>>
        %dma_start3A_104 = arith.constant 0 : i32
        %dma_start3A_105 = arith.constant 0 : i32
        %dma_start3A_106 = arith.constant 0 : i32
        %dma_start3A_107 = tpu.memref_slice %arg4[%add3A, %dma_start3A_104, %dma_start3A_105, %dma_start3A_106] : memref<32x2x40x128xi32, #tpu.memory_space<hbm>> -> memref<1x2x40x128xi32, #tpu.memory_space<hbm>>
        %dma_start3A_108 = tpu.memref_squeeze %dma_start3A_107 : memref<1x2x40x128xi32, #tpu.memory_space<hbm>> -> memref<2x40x128xi32, #tpu.memory_space<hbm>>
        %dma_start3A_109 = arith.constant 0 : i32
        %dma_start3A_110 = arith.constant 0 : i32
        %dma_start3A_111 = tpu.memref_slice %dma_start3A_108[%add3A_85, %dma_start3A_109, %dma_start3A_110] : memref<2x40x128xi32, #tpu.memory_space<hbm>> -> memref<1x40x128xi32, #tpu.memory_space<hbm>>
        %dma_start3A_112 = tpu.memref_squeeze %dma_start3A_111 : memref<1x40x128xi32, #tpu.memory_space<hbm>> -> memref<40x128xi32, #tpu.memory_space<hbm>>
        %dma_start3A_113 = arith.constant 0 : i32
        %dma_start3A_114 = arith.constant 0 : i32
        %dma_start3A_115 = arith.constant 0 : i32
        %dma_start3A_116 = tpu.memref_slice %arg4[%add3A, %dma_start3A_113, %dma_start3A_114, %dma_start3A_115] : memref<32x2x40x128xi32, #tpu.memory_space<hbm>> -> memref<1x2x40x128xi32, #tpu.memory_space<hbm>>
        %dma_start3A_117 = tpu.memref_squeeze %dma_start3A_116 : memref<1x2x40x128xi32, #tpu.memory_space<hbm>> -> memref<2x40x128xi32, #tpu.memory_space<hbm>>
        %dma_start3A_118 = arith.constant 0 : i32
        %dma_start3A_119 = arith.constant 0 : i32
        %dma_start3A_120 = tpu.memref_slice %dma_start3A_117[%add3A_85, %dma_start3A_118, %dma_start3A_119] : memref<2x40x128xi32, #tpu.memory_space<hbm>> -> memref<1x40x128xi32, #tpu.memory_space<hbm>>
        %dma_start3A_121 = tpu.memref_squeeze %dma_start3A_120 : memref<1x40x128xi32, #tpu.memory_space<hbm>> -> memref<40x128xi32, #tpu.memory_space<hbm>>
        tpu.enqueue_dma source(%dma_start3A_121 : memref<40x128xi32, #tpu.memory_space<hbm>>) target(%arg8 : memref<40x128xi32, #tpu.memory_space<vmem>>) target_semaphore(%run_scoped3A : memref<!tpu.dma_semaphore, #tpu.memory_space<semaphore_mem>>)
        %dma_wait3A_122 = arith.constant 0 : i32
        %dma_wait3A_123 = arith.constant 0 : i32
        %dma_wait3A_124 = arith.constant 0 : i32
        %dma_wait3A_125 = tpu.memref_slice %arg4[%add3A, %dma_wait3A_122, %dma_wait3A_123, %dma_wait3A_124] : memref<32x2x40x128xi32, #tpu.memory_space<hbm>> -> memref<1x2x40x128xi32, #tpu.memory_space<hbm>>
        %dma_wait3A_126 = tpu.memref_squeeze %dma_wait3A_125 : memref<1x2x40x128xi32, #tpu.memory_space<hbm>> -> memref<2x40x128xi32, #tpu.memory_space<hbm>>
        %dma_wait3A_127 = arith.constant 0 : i32
        %dma_wait3A_128 = arith.constant 0 : i32
        %dma_wait3A_129 = tpu.memref_slice %dma_wait3A_126[%add3A_85, %dma_wait3A_127, %dma_wait3A_128] : memref<2x40x128xi32, #tpu.memory_space<hbm>> -> memref<1x40x128xi32, #tpu.memory_space<hbm>>
        %dma_wait3A_130 = tpu.memref_squeeze %dma_wait3A_129 : memref<1x40x128xi32, #tpu.memory_space<hbm>> -> memref<40x128xi32, #tpu.memory_space<hbm>>
        %dma_wait3A_131 = arith.constant 0 : i32
        %dma_wait3A_132 = arith.constant 0 : i32
        %dma_wait3A_133 = arith.constant 0 : i32
        %dma_wait3A_134 = tpu.memref_slice %arg4[%add3A, %dma_wait3A_131, %dma_wait3A_132, %dma_wait3A_133] : memref<32x2x40x128xi32, #tpu.memory_space<hbm>> -> memref<1x2x40x128xi32, #tpu.memory_space<hbm>>
        %dma_wait3A_135 = tpu.memref_squeeze %dma_wait3A_134 : memref<1x2x40x128xi32, #tpu.memory_space<hbm>> -> memref<2x40x128xi32, #tpu.memory_space<hbm>>
        %dma_wait3A_136 = arith.constant 0 : i32
        %dma_wait3A_137 = arith.constant 0 : i32
        %dma_wait3A_138 = tpu.memref_slice %dma_wait3A_135[%add3A_85, %dma_wait3A_136, %dma_wait3A_137] : memref<2x40x128xi32, #tpu.memory_space<hbm>> -> memref<1x40x128xi32, #tpu.memory_space<hbm>>
        %dma_wait3A_139 = tpu.memref_squeeze %dma_wait3A_138 : memref<1x40x128xi32, #tpu.memory_space<hbm>> -> memref<40x128xi32, #tpu.memory_space<hbm>>
        tpu.wait_dma2 semaphore(%run_scoped3A : memref<!tpu.dma_semaphore, #tpu.memory_space<semaphore_mem>>) src(%dma_wait3A_139 : memref<40x128xi32, #tpu.memory_space<hbm>>) dst(%arg8 : memref<40x128xi32, #tpu.memory_space<vmem>>)
        tpu.yield
      }) : () -> ()
      %dma_start3A_86 = arith.constant 0 : i32
      %dma_start3A_87 = arith.constant 0 : i32
      %dma_start3A_88 = tpu.memref_slice %arg7[%dma_start3A_86, %dma_start3A_87] : memref<40x128xi32, #tpu.memory_space<vmem>> -> memref<1x128xi32, #tpu.memory_space<vmem>>
      %dma_start3A_89 = tpu.memref_squeeze %dma_start3A_88 : memref<1x128xi32, #tpu.memory_space<vmem>> -> memref<128xi32, #tpu.memory_space<vmem>>
      %dma_start3A_90 = arith.constant 0 : i32
      %dma_start3A_91 = arith.constant 0 : i32
      %dma_start3A_92 = tpu.memref_slice %arg2[%dma_start3A_90, %dma_start3A_91] : memref<10000x128xf32, #tpu.memory_space<hbm>> -> memref<10000x128xf32, #tpu.memory_space<hbm>>
      tpu.enqueue_indirect_dma source(%dma_start3A_92 : memref<10000x128xf32, #tpu.memory_space<hbm>>) target(%arg9 : memref<128x128xf32, #tpu.memory_space<vmem>>) offsets(%dma_start3A_89 : memref<128xi32, #tpu.memory_space<vmem>>) semaphore(%arg11 : memref<!tpu.dma_semaphore, #tpu.memory_space<semaphore_mem>>)
      %scan3A_93 = arith.constant 0 : i32
      %scan3A_94 = arith.constant 20 : i32
      %scan3A_95 = arith.addi %scan3A_93, %scan3A_94 : i32
      %scan3A_96 = arith.constant 1 : i32
      scf.for %scan3A_104 = %scan3A_93 to %scan3A_95 step %scan3A_96  : i32 {
        %mul3A_105 = arith.constant 2 : i32
        %mul3A_106 = arith.muli %scan3A_104, %mul3A_105 : i32
        %add3A_107 = arith.constant 0 : i32
        %add3A_108 = arith.addi %add3A_107, %mul3A_106 : i32
        %gt3A = arith.constant 0 : i32
        %gt3A_109 = arith.cmpi sgt, %add3A_108, %gt3A : i32
        %convert_element_type3A = arith.extui %gt3A_109 : i1 to i32
        %cond3A = arith.constant 0 : i32
        %cond3A_110 = arith.cmpi ne, %convert_element_type3A, %cond3A : i32
        scf.if %cond3A_110 {
          %dma_wait3A_157 = arith.constant 0 : i32
          %dma_wait3A_158 = arith.constant 0 : i32
          %dma_wait3A_159 = tpu.memref_slice %arg2[%dma_wait3A_157, %dma_wait3A_158] : memref<10000x128xf32, #tpu.memory_space<hbm>> -> memref<128x128xf32, #tpu.memory_space<hbm>>
          %dma_wait3A_160 = arith.constant 0 : i32
          %dma_wait3A_161 = arith.constant 0 : i32
          %dma_wait3A_162 = tpu.memref_slice %arg2[%dma_wait3A_160, %dma_wait3A_161] : memref<10000x128xf32, #tpu.memory_space<hbm>> -> memref<128x128xf32, #tpu.memory_space<hbm>>
          tpu.wait_dma2 semaphore(%arg12 : memref<!tpu.dma_semaphore, #tpu.memory_space<semaphore_mem>>) src(%dma_wait3A_162 : memref<128x128xf32, #tpu.memory_space<hbm>>) dst(%arg10 : memref<128x128xf32, #tpu.memory_space<vmem>>)
        } else {
        }
        %dma_wait3A_111 = arith.constant 0 : i32
        %dma_wait3A_112 = arith.constant 0 : i32
        %dma_wait3A_113 = tpu.memref_slice %arg2[%dma_wait3A_111, %dma_wait3A_112] : memref<10000x128xf32, #tpu.memory_space<hbm>> -> memref<128x128xf32, #tpu.memory_space<hbm>>
        %dma_wait3A_114 = arith.constant 0 : i32
        %dma_wait3A_115 = arith.constant 0 : i32
        %dma_wait3A_116 = tpu.memref_slice %arg2[%dma_wait3A_114, %dma_wait3A_115] : memref<10000x128xf32, #tpu.memory_space<hbm>> -> memref<128x128xf32, #tpu.memory_space<hbm>>
        tpu.wait_dma2 semaphore(%arg11 : memref<!tpu.dma_semaphore, #tpu.memory_space<semaphore_mem>>) src(%dma_wait3A_116 : memref<128x128xf32, #tpu.memory_space<hbm>>) dst(%arg9 : memref<128x128xf32, #tpu.memory_space<vmem>>)
        %dma_start3A_117 = arith.constant 0 : i32
        %dma_start3A_118 = tpu.memref_slice %arg8[%add3A_108, %dma_start3A_117] : memref<40x128xi32, #tpu.memory_space<vmem>> -> memref<1x128xi32, #tpu.memory_space<vmem>>
        %dma_start3A_119 = tpu.memref_squeeze %dma_start3A_118 : memref<1x128xi32, #tpu.memory_space<vmem>> -> memref<128xi32, #tpu.memory_space<vmem>>
        %dma_start3A_120 = arith.constant 0 : i32
        %dma_start3A_121 = arith.constant 0 : i32
        %dma_start3A_122 = tpu.memref_slice %arg6[%dma_start3A_120, %dma_start3A_121] : memref<10240x128xf32, #tpu.memory_space<vmem_shared>> -> memref<10240x128xf32, #tpu.memory_space<vmem_shared>>
        tpu.enqueue_indirect_dma source(%arg9 : memref<128x128xf32, #tpu.memory_space<vmem>>) target(%dma_start3A_122 : memref<10240x128xf32, #tpu.memory_space<vmem_shared>>) offsets(%dma_start3A_119 : memref<128xi32, #tpu.memory_space<vmem>>) semaphore(%arg12 : memref<!tpu.dma_semaphore, #tpu.memory_space<semaphore_mem>>) {add = true}
        %add3A_123 = arith.constant 1 : i32
        %add3A_124 = arith.addi %add3A_108, %add3A_123 : i32
        %dma_start3A_125 = arith.constant 0 : i32
        %dma_start3A_126 = tpu.memref_slice %arg7[%add3A_124, %dma_start3A_125] : memref<40x128xi32, #tpu.memory_space<vmem>> -> memref<1x128xi32, #tpu.memory_space<vmem>>
        %dma_start3A_127 = tpu.memref_squeeze %dma_start3A_126 : memref<1x128xi32, #tpu.memory_space<vmem>> -> memref<128xi32, #tpu.memory_space<vmem>>
        %dma_start3A_128 = arith.constant 0 : i32
        %dma_start3A_129 = arith.constant 0 : i32
        %dma_start3A_130 = tpu.memref_slice %arg2[%dma_start3A_128, %dma_start3A_129] : memref<10000x128xf32, #tpu.memory_space<hbm>> -> memref<10000x128xf32, #tpu.memory_space<hbm>>
        tpu.enqueue_indirect_dma source(%dma_start3A_130 : memref<10000x128xf32, #tpu.memory_space<hbm>>) target(%arg10 : memref<128x128xf32, #tpu.memory_space<vmem>>) offsets(%dma_start3A_127 : memref<128xi32, #tpu.memory_space<vmem>>) semaphore(%arg11 : memref<!tpu.dma_semaphore, #tpu.memory_space<semaphore_mem>>)
        %dma_wait3A_131 = arith.constant 0 : i32
        %dma_wait3A_132 = arith.constant 0 : i32
        %dma_wait3A_133 = tpu.memref_slice %arg2[%dma_wait3A_131, %dma_wait3A_132] : memref<10000x128xf32, #tpu.memory_space<hbm>> -> memref<128x128xf32, #tpu.memory_space<hbm>>
        %dma_wait3A_134 = arith.constant 0 : i32
        %dma_wait3A_135 = arith.constant 0 : i32
        %dma_wait3A_136 = tpu.memref_slice %arg2[%dma_wait3A_134, %dma_wait3A_135] : memref<10000x128xf32, #tpu.memory_space<hbm>> -> memref<128x128xf32, #tpu.memory_space<hbm>>
        tpu.wait_dma2 semaphore(%arg12 : memref<!tpu.dma_semaphore, #tpu.memory_space<semaphore_mem>>) src(%dma_wait3A_136 : memref<128x128xf32, #tpu.memory_space<hbm>>) dst(%arg9 : memref<128x128xf32, #tpu.memory_space<vmem>>)
        %dma_wait3A_137 = arith.constant 0 : i32
        %dma_wait3A_138 = arith.constant 0 : i32
        %dma_wait3A_139 = tpu.memref_slice %arg2[%dma_wait3A_137, %dma_wait3A_138] : memref<10000x128xf32, #tpu.memory_space<hbm>> -> memref<128x128xf32, #tpu.memory_space<hbm>>
        %dma_wait3A_140 = arith.constant 0 : i32
        %dma_wait3A_141 = arith.constant 0 : i32
        %dma_wait3A_142 = tpu.memref_slice %arg2[%dma_wait3A_140, %dma_wait3A_141] : memref<10000x128xf32, #tpu.memory_space<hbm>> -> memref<128x128xf32, #tpu.memory_space<hbm>>
        tpu.wait_dma2 semaphore(%arg11 : memref<!tpu.dma_semaphore, #tpu.memory_space<semaphore_mem>>) src(%dma_wait3A_142 : memref<128x128xf32, #tpu.memory_space<hbm>>) dst(%arg10 : memref<128x128xf32, #tpu.memory_space<vmem>>)
        %add3A_143 = arith.constant 1 : i32
        %add3A_144 = arith.addi %add3A_108, %add3A_143 : i32
        %dma_start3A_145 = arith.constant 0 : i32
        %dma_start3A_146 = tpu.memref_slice %arg8[%add3A_144, %dma_start3A_145] : memref<40x128xi32, #tpu.memory_space<vmem>> -> memref<1x128xi32, #tpu.memory_space<vmem>>
        %dma_start3A_147 = tpu.memref_squeeze %dma_start3A_146 : memref<1x128xi32, #tpu.memory_space<vmem>> -> memref<128xi32, #tpu.memory_space<vmem>>
        %dma_start3A_148 = arith.constant 0 : i32
        %dma_start3A_149 = arith.constant 0 : i32
        %dma_start3A_150 = tpu.memref_slice %arg6[%dma_start3A_148, %dma_start3A_149] : memref<10240x128xf32, #tpu.memory_space<vmem_shared>> -> memref<10240x128xf32, #tpu.memory_space<vmem_shared>>
        tpu.enqueue_indirect_dma source(%arg10 : memref<128x128xf32, #tpu.memory_space<vmem>>) target(%dma_start3A_150 : memref<10240x128xf32, #tpu.memory_space<vmem_shared>>) offsets(%dma_start3A_147 : memref<128xi32, #tpu.memory_space<vmem>>) semaphore(%arg12 : memref<!tpu.dma_semaphore, #tpu.memory_space<semaphore_mem>>) {add = true}
        %add3A_151 = arith.constant 2 : i32
        %add3A_152 = arith.addi %add3A_108, %add3A_151 : i32
        %lt3A = arith.constant 40 : i32
        %lt3A_153 = arith.cmpi slt, %add3A_152, %lt3A : i32
        %convert_element_type3A_154 = arith.extui %lt3A_153 : i1 to i32
        %cond3A_155 = arith.constant 0 : i32
        %cond3A_156 = arith.cmpi ne, %convert_element_type3A_154, %cond3A_155 : i32
        scf.if %cond3A_156 {
          %add3A_157 = arith.constant 2 : i32
          %add3A_158 = arith.addi %add3A_108, %add3A_157 : i32
          %dma_start3A_159 = arith.constant 0 : i32
          %dma_start3A_160 = tpu.memref_slice %arg7[%add3A_158, %dma_start3A_159] : memref<40x128xi32, #tpu.memory_space<vmem>> -> memref<1x128xi32, #tpu.memory_space<vmem>>
          %dma_start3A_161 = tpu.memref_squeeze %dma_start3A_160 : memref<1x128xi32, #tpu.memory_space<vmem>> -> memref<128xi32, #tpu.memory_space<vmem>>
          %dma_start3A_162 = arith.constant 0 : i32
          %dma_start3A_163 = arith.constant 0 : i32
          %dma_start3A_164 = tpu.memref_slice %arg2[%dma_start3A_162, %dma_start3A_163] : memref<10000x128xf32, #tpu.memory_space<hbm>> -> memref<10000x128xf32, #tpu.memory_space<hbm>>
          tpu.enqueue_indirect_dma source(%dma_start3A_164 : memref<10000x128xf32, #tpu.memory_space<hbm>>) target(%arg9 : memref<128x128xf32, #tpu.memory_space<vmem>>) offsets(%dma_start3A_161 : memref<128xi32, #tpu.memory_space<vmem>>) semaphore(%arg11 : memref<!tpu.dma_semaphore, #tpu.memory_space<semaphore_mem>>)
        } else {
        }
      }
      %scan3A_97 = arith.constant 20 : i32
      %dma_wait3A_98 = arith.constant 0 : i32
      %dma_wait3A_99 = arith.constant 0 : i32
      %dma_wait3A_100 = tpu.memref_slice %arg2[%dma_wait3A_98, %dma_wait3A_99] : memref<10000x128xf32, #tpu.memory_space<hbm>> -> memref<128x128xf32, #tpu.memory_space<hbm>>
      %dma_wait3A_101 = arith.constant 0 : i32
      %dma_wait3A_102 = arith.constant 0 : i32
      %dma_wait3A_103 = tpu.memref_slice %arg2[%dma_wait3A_101, %dma_wait3A_102] : memref<10000x128xf32, #tpu.memory_space<hbm>> -> memref<128x128xf32, #tpu.memory_space<hbm>>
      tpu.wait_dma2 semaphore(%arg12 : memref<!tpu.dma_semaphore, #tpu.memory_space<semaphore_mem>>) src(%dma_wait3A_103 : memref<128x128xf32, #tpu.memory_space<hbm>>) dst(%arg10 : memref<128x128xf32, #tpu.memory_space<vmem>>)
    }
    %scan3A_69 = arith.constant 2 : i32
    %barrier3A_70 = arith.constant 0 : index
    tpu.barrier barrier_id(%barrier3A_70)
    %add3A_71 = arith.constant 0 : i32
    %add3A_72 = arith.addi %mul3A_2, %add3A_71 : i32
    "tpu.region"() ({
      %run_scoped3A = tpu.sem_alloc : memref<!tpu.dma_semaphore, #tpu.memory_space<semaphore_mem>>
      %dma_start3A_81 = arith.constant 0 : i32
      %dma_start3A_82 = tpu.memref_slice %arg6[%add3A_72, %dma_start3A_81] : memref<10240x128xf32, #tpu.memory_space<vmem_shared>> -> memref<128x128xf32, #tpu.memory_space<vmem_shared>>
      %dma_start3A_83 = arith.constant 0 : i32
      %dma_start3A_84 = tpu.memref_slice %arg6[%add3A_72, %dma_start3A_83] : memref<10240x128xf32, #tpu.memory_space<vmem_shared>> -> memref<128x128xf32, #tpu.memory_space<vmem_shared>>
      tpu.enqueue_dma source(%dma_start3A_84 : memref<128x128xf32, #tpu.memory_space<vmem_shared>>) target(%arg9 : memref<128x128xf32, #tpu.memory_space<vmem>>) target_semaphore(%run_scoped3A : memref<!tpu.dma_semaphore, #tpu.memory_space<semaphore_mem>>)
      %dma_wait3A_85 = arith.constant 0 : i32
      %dma_wait3A_86 = tpu.memref_slice %arg6[%add3A_72, %dma_wait3A_85] : memref<10240x128xf32, #tpu.memory_space<vmem_shared>> -> memref<128x128xf32, #tpu.memory_space<vmem_shared>>
      %dma_wait3A_87 = arith.constant 0 : i32
      %dma_wait3A_88 = tpu.memref_slice %arg6[%add3A_72, %dma_wait3A_87] : memref<10240x128xf32, #tpu.memory_space<vmem_shared>> -> memref<128x128xf32, #tpu.memory_space<vmem_shared>>
      tpu.wait_dma2 semaphore(%run_scoped3A : memref<!tpu.dma_semaphore, #tpu.memory_space<semaphore_mem>>) src(%dma_wait3A_88 : memref<128x128xf32, #tpu.memory_space<vmem_shared>>) dst(%arg9 : memref<128x128xf32, #tpu.memory_space<vmem>>)
      tpu.yield
    }) : () -> ()
    "tpu.region"() ({
      %run_scoped3A = tpu.sem_alloc : memref<!tpu.dma_semaphore, #tpu.memory_space<semaphore_mem>>
      %dma_start3A_81 = arith.constant 0 : i32
      %dma_start3A_82 = arith.constant 0 : i32
      %dma_start3A_83 = tpu.memref_slice %arg5[%arg0, %dma_start3A_81, %dma_start3A_82] : memref<2x10240x128xf32, #tpu.memory_space<hbm>> -> memref<1x10240x128xf32, #tpu.memory_space<hbm>>
      %dma_start3A_84 = tpu.memref_squeeze %dma_start3A_83 : memref<1x10240x128xf32, #tpu.memory_space<hbm>> -> memref<10240x128xf32, #tpu.memory_space<hbm>>
      %dma_start3A_85 = arith.constant 0 : i32
      %dma_start3A_86 = tpu.memref_slice %dma_start3A_84[%add3A_72, %dma_start3A_85] : memref<10240x128xf32, #tpu.memory_space<hbm>> -> memref<128x128xf32, #tpu.memory_space<hbm>>
      %dma_start3A_87 = arith.constant 0 : i32
      %dma_start3A_88 = arith.constant 0 : i32
      %dma_start3A_89 = tpu.memref_slice %arg5[%arg0, %dma_start3A_87, %dma_start3A_88] : memref<2x10240x128xf32, #tpu.memory_space<hbm>> -> memref<1x10240x128xf32, #tpu.memory_space<hbm>>
      %dma_start3A_90 = tpu.memref_squeeze %dma_start3A_89 : memref<1x10240x128xf32, #tpu.memory_space<hbm>> -> memref<10240x128xf32, #tpu.memory_space<hbm>>
      %dma_start3A_91 = arith.constant 0 : i32
      %dma_start3A_92 = tpu.memref_slice %dma_start3A_90[%add3A_72, %dma_start3A_91] : memref<10240x128xf32, #tpu.memory_space<hbm>> -> memref<128x128xf32, #tpu.memory_space<hbm>>
      tpu.enqueue_dma source(%arg9 : memref<128x128xf32, #tpu.memory_space<vmem>>) target(%dma_start3A_92 : memref<128x128xf32, #tpu.memory_space<hbm>>) target_semaphore(%run_scoped3A : memref<!tpu.dma_semaphore, #tpu.memory_space<semaphore_mem>>)
      %dma_wait3A_93 = arith.constant 0 : i32
      %dma_wait3A_94 = arith.constant 0 : i32
      %dma_wait3A_95 = tpu.memref_slice %arg5[%arg0, %dma_wait3A_93, %dma_wait3A_94] : memref<2x10240x128xf32, #tpu.memory_space<hbm>> -> memref<1x10240x128xf32, #tpu.memory_space<hbm>>
      %dma_wait3A_96 = tpu.memref_squeeze %dma_wait3A_95 : memref<1x10240x128xf32, #tpu.memory_space<hbm>> -> memref<10240x128xf32, #tpu.memory_space<hbm>>
      %dma_wait3A_97 = arith.constant 0 : i32
      %dma_wait3A_98 = tpu.memref_slice %dma_wait3A_96[%add3A_72, %dma_wait3A_97] : memref<10240x128xf32, #tpu.memory_space<hbm>> -> memref<128x128xf32, #tpu.memory_space<hbm>>
      %dma_wait3A_99 = arith.constant 0 : i32
      %dma_wait3A_100 = arith.constant 0 : i32
      %dma_wait3A_101 = tpu.memref_slice %arg5[%arg0, %dma_wait3A_99, %dma_wait3A_100] : memref<2x10240x128xf32, #tpu.memory_space<hbm>> -> memref<1x10240x128xf32, #tpu.memory_space<hbm>>
      %dma_wait3A_102 = tpu.memref_squeeze %dma_wait3A_101 : memref<1x10240x128xf32, #tpu.memory_space<hbm>> -> memref<10240x128xf32, #tpu.memory_space<hbm>>
      %dma_wait3A_103 = arith.constant 0 : i32
      %dma_wait3A_104 = tpu.memref_slice %dma_wait3A_102[%add3A_72, %dma_wait3A_103] : memref<10240x128xf32, #tpu.memory_space<hbm>> -> memref<128x128xf32, #tpu.memory_space<hbm>>
      tpu.wait_dma2 semaphore(%run_scoped3A : memref<!tpu.dma_semaphore, #tpu.memory_space<semaphore_mem>>) src(%arg9 : memref<128x128xf32, #tpu.memory_space<vmem>>) dst(%dma_wait3A_104 : memref<128x128xf32, #tpu.memory_space<hbm>>)
      tpu.yield
    }) : () -> ()
    %add3A_73 = arith.constant 128 : i32
    %add3A_74 = arith.addi %mul3A_2, %add3A_73 : i32
    "tpu.region"() ({
      %run_scoped3A = tpu.sem_alloc : memref<!tpu.dma_semaphore, #tpu.memory_space<semaphore_mem>>
      %dma_start3A_81 = arith.constant 0 : i32
      %dma_start3A_82 = tpu.memref_slice %arg6[%add3A_74, %dma_start3A_81] : memref<10240x128xf32, #tpu.memory_space<vmem_shared>> -> memref<128x128xf32, #tpu.memory_space<vmem_shared>>
      %dma_start3A_83 = arith.constant 0 : i32
      %dma_start3A_84 = tpu.memref_slice %arg6[%add3A_74, %dma_start3A_83] : memref<10240x128xf32, #tpu.memory_space<vmem_shared>> -> memref<128x128xf32, #tpu.memory_space<vmem_shared>>
      tpu.enqueue_dma source(%dma_start3A_84 : memref<128x128xf32, #tpu.memory_space<vmem_shared>>) target(%arg9 : memref<128x128xf32, #tpu.memory_space<vmem>>) target_semaphore(%run_scoped3A : memref<!tpu.dma_semaphore, #tpu.memory_space<semaphore_mem>>)
      %dma_wait3A_85 = arith.constant 0 : i32
      %dma_wait3A_86 = tpu.memref_slice %arg6[%add3A_74, %dma_wait3A_85] : memref<10240x128xf32, #tpu.memory_space<vmem_shared>> -> memref<128x128xf32, #tpu.memory_space<vmem_shared>>
      %dma_wait3A_87 = arith.constant 0 : i32
      %dma_wait3A_88 = tpu.memref_slice %arg6[%add3A_74, %dma_wait3A_87] : memref<10240x128xf32, #tpu.memory_space<vmem_shared>> -> memref<128x128xf32, #tpu.memory_space<vmem_shared>>
      tpu.wait_dma2 semaphore(%run_scoped3A : memref<!tpu.dma_semaphore, #tpu.memory_space<semaphore_mem>>) src(%dma_wait3A_88 : memref<128x128xf32, #tpu.memory_space<vmem_shared>>) dst(%arg9 : memref<128x128xf32, #tpu.memory_space<vmem>>)
      tpu.yield
    }) : () -> ()
    "tpu.region"() ({
      %run_scoped3A = tpu.sem_alloc : memref<!tpu.dma_semaphore, #tpu.memory_space<semaphore_mem>>
      %dma_start3A_81 = arith.constant 0 : i32
      %dma_start3A_82 = arith.constant 0 : i32
      %dma_start3A_83 = tpu.memref_slice %arg5[%arg0, %dma_start3A_81, %dma_start3A_82] : memref<2x10240x128xf32, #tpu.memory_space<hbm>> -> memref<1x10240x128xf32, #tpu.memory_space<hbm>>
      %dma_start3A_84 = tpu.memref_squeeze %dma_start3A_83 : memref<1x10240x128xf32, #tpu.memory_space<hbm>> -> memref<10240x128xf32, #tpu.memory_space<hbm>>
      %dma_start3A_85 = arith.constant 0 : i32
      %dma_start3A_86 = tpu.memref_slice %dma_start3A_84[%add3A_74, %dma_start3A_85] : memref<10240x128xf32, #tpu.memory_space<hbm>> -> memref<128x128xf32, #tpu.memory_space<hbm>>
      %dma_start3A_87 = arith.constant 0 : i32
      %dma_start3A_88 = arith.constant 0 : i32
      %dma_start3A_89 = tpu.memref_slice %arg5[%arg0, %dma_start3A_87, %dma_start3A_88] : memref<2x10240x128xf32, #tpu.memory_space<hbm>> -> memref<1x10240x128xf32, #tpu.memory_space<hbm>>
      %dma_start3A_90 = tpu.memref_squeeze %dma_start3A_89 : memref<1x10240x128xf32, #tpu.memory_space<hbm>> -> memref<10240x128xf32, #tpu.memory_space<hbm>>
      %dma_start3A_91 = arith.constant 0 : i32
      %dma_start3A_92 = tpu.memref_slice %dma_start3A_90[%add3A_74, %dma_start3A_91] : memref<10240x128xf32, #tpu.memory_space<hbm>> -> memref<128x128xf32, #tpu.memory_space<hbm>>
      tpu.enqueue_dma source(%arg9 : memref<128x128xf32, #tpu.memory_space<vmem>>) target(%dma_start3A_92 : memref<128x128xf32, #tpu.memory_space<hbm>>) target_semaphore(%run_scoped3A : memref<!tpu.dma_semaphore, #tpu.memory_space<semaphore_mem>>)
      %dma_wait3A_93 = arith.constant 0 : i32
      %dma_wait3A_94 = arith.constant 0 : i32
      %dma_wait3A_95 = tpu.memref_slice %arg5[%arg0, %dma_wait3A_93, %dma_wait3A_94] : memref<2x10240x128xf32, #tpu.memory_space<hbm>> -> memref<1x10240x128xf32, #tpu.memory_space<hbm>>
      %dma_wait3A_96 = tpu.memref_squeeze %dma_wait3A_95 : memref<1x10240x128xf32, #tpu.memory_space<hbm>> -> memref<10240x128xf32, #tpu.memory_space<hbm>>
      %dma_wait3A_97 = arith.constant 0 : i32
      %dma_wait3A_98 = tpu.memref_slice %dma_wait3A_96[%add3A_74, %dma_wait3A_97] : memref<10240x128xf32, #tpu.memory_space<hbm>> -> memref<128x128xf32, #tpu.memory_space<hbm>>
      %dma_wait3A_99 = arith.constant 0 : i32
      %dma_wait3A_100 = arith.constant 0 : i32
      %dma_wait3A_101 = tpu.memref_slice %arg5[%arg0, %dma_wait3A_99, %dma_wait3A_100] : memref<2x10240x128xf32, #tpu.memory_space<hbm>> -> memref<1x10240x128xf32, #tpu.memory_space<hbm>>
      %dma_wait3A_102 = tpu.memref_squeeze %dma_wait3A_101 : memref<1x10240x128xf32, #tpu.memory_space<hbm>> -> memref<10240x128xf32, #tpu.memory_space<hbm>>
      %dma_wait3A_103 = arith.constant 0 : i32
      %dma_wait3A_104 = tpu.memref_slice %dma_wait3A_102[%add3A_74, %dma_wait3A_103] : memref<10240x128xf32, #tpu.memory_space<hbm>> -> memref<128x128xf32, #tpu.memory_space<hbm>>
      tpu.wait_dma2 semaphore(%run_scoped3A : memref<!tpu.dma_semaphore, #tpu.memory_space<semaphore_mem>>) src(%arg9 : memref<128x128xf32, #tpu.memory_space<vmem>>) dst(%dma_wait3A_104 : memref<128x128xf32, #tpu.memory_space<hbm>>)
      tpu.yield
    }) : () -> ()
    %add3A_75 = arith.constant 256 : i32
    %add3A_76 = arith.addi %mul3A_2, %add3A_75 : i32
    "tpu.region"() ({
      %run_scoped3A = tpu.sem_alloc : memref<!tpu.dma_semaphore, #tpu.memory_space<semaphore_mem>>
      %dma_start3A_81 = arith.constant 0 : i32
      %dma_start3A_82 = tpu.memref_slice %arg6[%add3A_76, %dma_start3A_81] : memref<10240x128xf32, #tpu.memory_space<vmem_shared>> -> memref<128x128xf32, #tpu.memory_space<vmem_shared>>
      %dma_start3A_83 = arith.constant 0 : i32
      %dma_start3A_84 = tpu.memref_slice %arg6[%add3A_76, %dma_start3A_83] : memref<10240x128xf32, #tpu.memory_space<vmem_shared>> -> memref<128x128xf32, #tpu.memory_space<vmem_shared>>
      tpu.enqueue_dma source(%dma_start3A_84 : memref<128x128xf32, #tpu.memory_space<vmem_shared>>) target(%arg9 : memref<128x128xf32, #tpu.memory_space<vmem>>) target_semaphore(%run_scoped3A : memref<!tpu.dma_semaphore, #tpu.memory_space<semaphore_mem>>)
      %dma_wait3A_85 = arith.constant 0 : i32
      %dma_wait3A_86 = tpu.memref_slice %arg6[%add3A_76, %dma_wait3A_85] : memref<10240x128xf32, #tpu.memory_space<vmem_shared>> -> memref<128x128xf32, #tpu.memory_space<vmem_shared>>
      %dma_wait3A_87 = arith.constant 0 : i32
      %dma_wait3A_88 = tpu.memref_slice %arg6[%add3A_76, %dma_wait3A_87] : memref<10240x128xf32, #tpu.memory_space<vmem_shared>> -> memref<128x128xf32, #tpu.memory_space<vmem_shared>>
      tpu.wait_dma2 semaphore(%run_scoped3A : memref<!tpu.dma_semaphore, #tpu.memory_space<semaphore_mem>>) src(%dma_wait3A_88 : memref<128x128xf32, #tpu.memory_space<vmem_shared>>) dst(%arg9 : memref<128x128xf32, #tpu.memory_space<vmem>>)
      tpu.yield
    }) : () -> ()
    "tpu.region"() ({
      %run_scoped3A = tpu.sem_alloc : memref<!tpu.dma_semaphore, #tpu.memory_space<semaphore_mem>>
      %dma_start3A_81 = arith.constant 0 : i32
      %dma_start3A_82 = arith.constant 0 : i32
      %dma_start3A_83 = tpu.memref_slice %arg5[%arg0, %dma_start3A_81, %dma_start3A_82] : memref<2x10240x128xf32, #tpu.memory_space<hbm>> -> memref<1x10240x128xf32, #tpu.memory_space<hbm>>
      %dma_start3A_84 = tpu.memref_squeeze %dma_start3A_83 : memref<1x10240x128xf32, #tpu.memory_space<hbm>> -> memref<10240x128xf32, #tpu.memory_space<hbm>>
      %dma_start3A_85 = arith.constant 0 : i32
      %dma_start3A_86 = tpu.memref_slice %dma_start3A_84[%add3A_76, %dma_start3A_85] : memref<10240x128xf32, #tpu.memory_space<hbm>> -> memref<128x128xf32, #tpu.memory_space<hbm>>
      %dma_start3A_87 = arith.constant 0 : i32
      %dma_start3A_88 = arith.constant 0 : i32
      %dma_start3A_89 = tpu.memref_slice %arg5[%arg0, %dma_start3A_87, %dma_start3A_88] : memref<2x10240x128xf32, #tpu.memory_space<hbm>> -> memref<1x10240x128xf32, #tpu.memory_space<hbm>>
      %dma_start3A_90 = tpu.memref_squeeze %dma_start3A_89 : memref<1x10240x128xf32, #tpu.memory_space<hbm>> -> memref<10240x128xf32, #tpu.memory_space<hbm>>
      %dma_start3A_91 = arith.constant 0 : i32
      %dma_start3A_92 = tpu.memref_slice %dma_start3A_90[%add3A_76, %dma_start3A_91] : memref<10240x128xf32, #tpu.memory_space<hbm>> -> memref<128x128xf32, #tpu.memory_space<hbm>>
      tpu.enqueue_dma source(%arg9 : memref<128x128xf32, #tpu.memory_space<vmem>>) target(%dma_start3A_92 : memref<128x128xf32, #tpu.memory_space<hbm>>) target_semaphore(%run_scoped3A : memref<!tpu.dma_semaphore, #tpu.memory_space<semaphore_mem>>)
      %dma_wait3A_93 = arith.constant 0 : i32
      %dma_wait3A_94 = arith.constant 0 : i32
      %dma_wait3A_95 = tpu.memref_slice %arg5[%arg0, %dma_wait3A_93, %dma_wait3A_94] : memref<2x10240x128xf32, #tpu.memory_space<hbm>> -> memref<1x10240x128xf32, #tpu.memory_space<hbm>>
      %dma_wait3A_96 = tpu.memref_squeeze %dma_wait3A_95 : memref<1x10240x128xf32, #tpu.memory_space<hbm>> -> memref<10240x128xf32, #tpu.memory_space<hbm>>
      %dma_wait3A_97 = arith.constant 0 : i32
      %dma_wait3A_98 = tpu.memref_slice %dma_wait3A_96[%add3A_76, %dma_wait3A_97] : memref<10240x128xf32, #tpu.memory_space<hbm>> -> memref<128x128xf32, #tpu.memory_space<hbm>>
      %dma_wait3A_99 = arith.constant 0 : i32
      %dma_wait3A_100 = arith.constant 0 : i32
      %dma_wait3A_101 = tpu.memref_slice %arg5[%arg0, %dma_wait3A_99, %dma_wait3A_100] : memref<2x10240x128xf32, #tpu.memory_space<hbm>> -> memref<1x10240x128xf32, #tpu.memory_space<hbm>>
      %dma_wait3A_102 = tpu.memref_squeeze %dma_wait3A_101 : memref<1x10240x128xf32, #tpu.memory_space<hbm>> -> memref<10240x128xf32, #tpu.memory_space<hbm>>
      %dma_wait3A_103 = arith.constant 0 : i32
      %dma_wait3A_104 = tpu.memref_slice %dma_wait3A_102[%add3A_76, %dma_wait3A_103] : memref<10240x128xf32, #tpu.memory_space<hbm>> -> memref<128x128xf32, #tpu.memory_space<hbm>>
      tpu.wait_dma2 semaphore(%run_scoped3A : memref<!tpu.dma_semaphore, #tpu.memory_space<semaphore_mem>>) src(%arg9 : memref<128x128xf32, #tpu.memory_space<vmem>>) dst(%dma_wait3A_104 : memref<128x128xf32, #tpu.memory_space<hbm>>)
      tpu.yield
    }) : () -> ()
    %add3A_77 = arith.constant 384 : i32
    %add3A_78 = arith.addi %mul3A_2, %add3A_77 : i32
    "tpu.region"() ({
      %run_scoped3A = tpu.sem_alloc : memref<!tpu.dma_semaphore, #tpu.memory_space<semaphore_mem>>
      %dma_start3A_81 = arith.constant 0 : i32
      %dma_start3A_82 = tpu.memref_slice %arg6[%add3A_78, %dma_start3A_81] : memref<10240x128xf32, #tpu.memory_space<vmem_shared>> -> memref<128x128xf32, #tpu.memory_space<vmem_shared>>
      %dma_start3A_83 = arith.constant 0 : i32
      %dma_start3A_84 = tpu.memref_slice %arg6[%add3A_78, %dma_start3A_83] : memref<10240x128xf32, #tpu.memory_space<vmem_shared>> -> memref<128x128xf32, #tpu.memory_space<vmem_shared>>
      tpu.enqueue_dma source(%dma_start3A_84 : memref<128x128xf32, #tpu.memory_space<vmem_shared>>) target(%arg9 : memref<128x128xf32, #tpu.memory_space<vmem>>) target_semaphore(%run_scoped3A : memref<!tpu.dma_semaphore, #tpu.memory_space<semaphore_mem>>)
      %dma_wait3A_85 = arith.constant 0 : i32
      %dma_wait3A_86 = tpu.memref_slice %arg6[%add3A_78, %dma_wait3A_85] : memref<10240x128xf32, #tpu.memory_space<vmem_shared>> -> memref<128x128xf32, #tpu.memory_space<vmem_shared>>
      %dma_wait3A_87 = arith.constant 0 : i32
      %dma_wait3A_88 = tpu.memref_slice %arg6[%add3A_78, %dma_wait3A_87] : memref<10240x128xf32, #tpu.memory_space<vmem_shared>> -> memref<128x128xf32, #tpu.memory_space<vmem_shared>>
      tpu.wait_dma2 semaphore(%run_scoped3A : memref<!tpu.dma_semaphore, #tpu.memory_space<semaphore_mem>>) src(%dma_wait3A_88 : memref<128x128xf32, #tpu.memory_space<vmem_shared>>) dst(%arg9 : memref<128x128xf32, #tpu.memory_space<vmem>>)
      tpu.yield
    }) : () -> ()
    "tpu.region"() ({
      %run_scoped3A = tpu.sem_alloc : memref<!tpu.dma_semaphore, #tpu.memory_space<semaphore_mem>>
      %dma_start3A_81 = arith.constant 0 : i32
      %dma_start3A_82 = arith.constant 0 : i32
      %dma_start3A_83 = tpu.memref_slice %arg5[%arg0, %dma_start3A_81, %dma_start3A_82] : memref<2x10240x128xf32, #tpu.memory_space<hbm>> -> memref<1x10240x128xf32, #tpu.memory_space<hbm>>
      %dma_start3A_84 = tpu.memref_squeeze %dma_start3A_83 : memref<1x10240x128xf32, #tpu.memory_space<hbm>> -> memref<10240x128xf32, #tpu.memory_space<hbm>>
      %dma_start3A_85 = arith.constant 0 : i32
      %dma_start3A_86 = tpu.memref_slice %dma_start3A_84[%add3A_78, %dma_start3A_85] : memref<10240x128xf32, #tpu.memory_space<hbm>> -> memref<128x128xf32, #tpu.memory_space<hbm>>
      %dma_start3A_87 = arith.constant 0 : i32
      %dma_start3A_88 = arith.constant 0 : i32
      %dma_start3A_89 = tpu.memref_slice %arg5[%arg0, %dma_start3A_87, %dma_start3A_88] : memref<2x10240x128xf32, #tpu.memory_space<hbm>> -> memref<1x10240x128xf32, #tpu.memory_space<hbm>>
      %dma_start3A_90 = tpu.memref_squeeze %dma_start3A_89 : memref<1x10240x128xf32, #tpu.memory_space<hbm>> -> memref<10240x128xf32, #tpu.memory_space<hbm>>
      %dma_start3A_91 = arith.constant 0 : i32
      %dma_start3A_92 = tpu.memref_slice %dma_start3A_90[%add3A_78, %dma_start3A_91] : memref<10240x128xf32, #tpu.memory_space<hbm>> -> memref<128x128xf32, #tpu.memory_space<hbm>>
      tpu.enqueue_dma source(%arg9 : memref<128x128xf32, #tpu.memory_space<vmem>>) target(%dma_start3A_92 : memref<128x128xf32, #tpu.memory_space<hbm>>) target_semaphore(%run_scoped3A : memref<!tpu.dma_semaphore, #tpu.memory_space<semaphore_mem>>)
      %dma_wait3A_93 = arith.constant 0 : i32
      %dma_wait3A_94 = arith.constant 0 : i32
      %dma_wait3A_95 = tpu.memref_slice %arg5[%arg0, %dma_wait3A_93, %dma_wait3A_94] : memref<2x10240x128xf32, #tpu.memory_space<hbm>> -> memref<1x10240x128xf32, #tpu.memory_space<hbm>>
      %dma_wait3A_96 = tpu.memref_squeeze %dma_wait3A_95 : memref<1x10240x128xf32, #tpu.memory_space<hbm>> -> memref<10240x128xf32, #tpu.memory_space<hbm>>
      %dma_wait3A_97 = arith.constant 0 : i32
      %dma_wait3A_98 = tpu.memref_slice %dma_wait3A_96[%add3A_78, %dma_wait3A_97] : memref<10240x128xf32, #tpu.memory_space<hbm>> -> memref<128x128xf32, #tpu.memory_space<hbm>>
      %dma_wait3A_99 = arith.constant 0 : i32
      %dma_wait3A_100 = arith.constant 0 : i32
      %dma_wait3A_101 = tpu.memref_slice %arg5[%arg0, %dma_wait3A_99, %dma_wait3A_100] : memref<2x10240x128xf32, #tpu.memory_space<hbm>> -> memref<1x10240x128xf32, #tpu.memory_space<hbm>>
      %dma_wait3A_102 = tpu.memref_squeeze %dma_wait3A_101 : memref<1x10240x128xf32, #tpu.memory_space<hbm>> -> memref<10240x128xf32, #tpu.memory_space<hbm>>
      %dma_wait3A_103 = arith.constant 0 : i32
      %dma_wait3A_104 = tpu.memref_slice %dma_wait3A_102[%add3A_78, %dma_wait3A_103] : memref<10240x128xf32, #tpu.memory_space<hbm>> -> memref<128x128xf32, #tpu.memory_space<hbm>>
      tpu.wait_dma2 semaphore(%run_scoped3A : memref<!tpu.dma_semaphore, #tpu.memory_space<semaphore_mem>>) src(%arg9 : memref<128x128xf32, #tpu.memory_space<vmem>>) dst(%dma_wait3A_104 : memref<128x128xf32, #tpu.memory_space<hbm>>)
      tpu.yield
    }) : () -> ()
    %add3A_79 = arith.constant 512 : i32
    %add3A_80 = arith.addi %mul3A_2, %add3A_79 : i32
    "tpu.region"() ({
      %run_scoped3A = tpu.sem_alloc : memref<!tpu.dma_semaphore, #tpu.memory_space<semaphore_mem>>
      %dma_start3A_81 = arith.constant 0 : i32
      %dma_start3A_82 = tpu.memref_slice %arg6[%add3A_80, %dma_start3A_81] : memref<10240x128xf32, #tpu.memory_space<vmem_shared>> -> memref<128x128xf32, #tpu.memory_space<vmem_shared>>
      %dma_start3A_83 = arith.constant 0 : i32
      %dma_start3A_84 = tpu.memref_slice %arg6[%add3A_80, %dma_start3A_83] : memref<10240x128xf32, #tpu.memory_space<vmem_shared>> -> memref<128x128xf32, #tpu.memory_space<vmem_shared>>
      tpu.enqueue_dma source(%dma_start3A_84 : memref<128x128xf32, #tpu.memory_space<vmem_shared>>) target(%arg9 : memref<128x128xf32, #tpu.memory_space<vmem>>) target_semaphore(%run_scoped3A : memref<!tpu.dma_semaphore, #tpu.memory_space<semaphore_mem>>)
      %dma_wait3A_85 = arith.constant 0 : i32
      %dma_wait3A_86 = tpu.memref_slice %arg6[%add3A_80, %dma_wait3A_85] : memref<10240x128xf32, #tpu.memory_space<vmem_shared>> -> memref<128x128xf32, #tpu.memory_space<vmem_shared>>
      %dma_wait3A_87 = arith.constant 0 : i32
      %dma_wait3A_88 = tpu.memref_slice %arg6[%add3A_80, %dma_wait3A_87] : memref<10240x128xf32, #tpu.memory_space<vmem_shared>> -> memref<128x128xf32, #tpu.memory_space<vmem_shared>>
      tpu.wait_dma2 semaphore(%run_scoped3A : memref<!tpu.dma_semaphore, #tpu.memory_space<semaphore_mem>>) src(%dma_wait3A_88 : memref<128x128xf32, #tpu.memory_space<vmem_shared>>) dst(%arg9 : memref<128x128xf32, #tpu.memory_space<vmem>>)
      tpu.yield
    }) : () -> ()
    "tpu.region"() ({
      %run_scoped3A = tpu.sem_alloc : memref<!tpu.dma_semaphore, #tpu.memory_space<semaphore_mem>>
      %dma_start3A_81 = arith.constant 0 : i32
      %dma_start3A_82 = arith.constant 0 : i32
      %dma_start3A_83 = tpu.memref_slice %arg5[%arg0, %dma_start3A_81, %dma_start3A_82] : memref<2x10240x128xf32, #tpu.memory_space<hbm>> -> memref<1x10240x128xf32, #tpu.memory_space<hbm>>
      %dma_start3A_84 = tpu.memref_squeeze %dma_start3A_83 : memref<1x10240x128xf32, #tpu.memory_space<hbm>> -> memref<10240x128xf32, #tpu.memory_space<hbm>>
      %dma_start3A_85 = arith.constant 0 : i32
      %dma_start3A_86 = tpu.memref_slice %dma_start3A_84[%add3A_80, %dma_start3A_85] : memref<10240x128xf32, #tpu.memory_space<hbm>> -> memref<128x128xf32, #tpu.memory_space<hbm>>
      %dma_start3A_87 = arith.constant 0 : i32
      %dma_start3A_88 = arith.constant 0 : i32
      %dma_start3A_89 = tpu.memref_slice %arg5[%arg0, %dma_start3A_87, %dma_start3A_88] : memref<2x10240x128xf32, #tpu.memory_space<hbm>> -> memref<1x10240x128xf32, #tpu.memory_space<hbm>>
      %dma_start3A_90 = tpu.memref_squeeze %dma_start3A_89 : memref<1x10240x128xf32, #tpu.memory_space<hbm>> -> memref<10240x128xf32, #tpu.memory_space<hbm>>
      %dma_start3A_91 = arith.constant 0 : i32
      %dma_start3A_92 = tpu.memref_slice %dma_start3A_90[%add3A_80, %dma_start3A_91] : memref<10240x128xf32, #tpu.memory_space<hbm>> -> memref<128x128xf32, #tpu.memory_space<hbm>>
      tpu.enqueue_dma source(%arg9 : memref<128x128xf32, #tpu.memory_space<vmem>>) target(%dma_start3A_92 : memref<128x128xf32, #tpu.memory_space<hbm>>) target_semaphore(%run_scoped3A : memref<!tpu.dma_semaphore, #tpu.memory_space<semaphore_mem>>)
      %dma_wait3A_93 = arith.constant 0 : i32
      %dma_wait3A_94 = arith.constant 0 : i32
      %dma_wait3A_95 = tpu.memref_slice %arg5[%arg0, %dma_wait3A_93, %dma_wait3A_94] : memref<2x10240x128xf32, #tpu.memory_space<hbm>> -> memref<1x10240x128xf32, #tpu.memory_space<hbm>>
      %dma_wait3A_96 = tpu.memref_squeeze %dma_wait3A_95 : memref<1x10240x128xf32, #tpu.memory_space<hbm>> -> memref<10240x128xf32, #tpu.memory_space<hbm>>
      %dma_wait3A_97 = arith.constant 0 : i32
      %dma_wait3A_98 = tpu.memref_slice %dma_wait3A_96[%add3A_80, %dma_wait3A_97] : memref<10240x128xf32, #tpu.memory_space<hbm>> -> memref<128x128xf32, #tpu.memory_space<hbm>>
      %dma_wait3A_99 = arith.constant 0 : i32
      %dma_wait3A_100 = arith.constant 0 : i32
      %dma_wait3A_101 = tpu.memref_slice %arg5[%arg0, %dma_wait3A_99, %dma_wait3A_100] : memref<2x10240x128xf32, #tpu.memory_space<hbm>> -> memref<1x10240x128xf32, #tpu.memory_space<hbm>>
      %dma_wait3A_102 = tpu.memref_squeeze %dma_wait3A_101 : memref<1x10240x128xf32, #tpu.memory_space<hbm>> -> memref<10240x128xf32, #tpu.memory_space<hbm>>
      %dma_wait3A_103 = arith.constant 0 : i32
      %dma_wait3A_104 = tpu.memref_slice %dma_wait3A_102[%add3A_80, %dma_wait3A_103] : memref<10240x128xf32, #tpu.memory_space<hbm>> -> memref<128x128xf32, #tpu.memory_space<hbm>>
      tpu.wait_dma2 semaphore(%run_scoped3A : memref<!tpu.dma_semaphore, #tpu.memory_space<semaphore_mem>>) src(%arg9 : memref<128x128xf32, #tpu.memory_space<vmem>>) dst(%dma_wait3A_104 : memref<128x128xf32, #tpu.memory_space<hbm>>)
      tpu.yield
    }) : () -> ()
    return
  }
}

#map = affine_map<(d0, d1) -> (0, 0, 0)>
#map1 = affine_map<(d0, d1) -> (0, 0)>
module attributes {stable_mosaic.version = 14 : i64} {
  func.func @k(%arg0: i32, %arg1: i32, %arg2: memref<32x2x5120xi32, #tpu.memory_space<hbm>>, %arg3: memref<32x10240xf32, #tpu.memory_space<hbm>>, %arg4: memref<5120xi32, #tpu.memory_space<vmem>>, %arg5: memref<10240xf32, #tpu.memory_space<vmem>>) attributes {dimension_semantics = [#tpu.dimension_semantics<core_parallel>, #tpu.dimension_semantics<subcore_parallel>], iteration_bounds = array<i64: 2, 16>, scalar_prefetch = 0 : i64, scratch_operands = 2 : i64, tpu.core_type = #tpu.core_type<sc_vector_subcore>, window_params = [{transform_indices = #map}, {transform_indices = #map1}]} {
    %mul3A = arith.constant 16 : i32
    %mul3A_0 = arith.muli %arg0, %mul3A : i32
    %add3A = arith.addi %mul3A_0, %arg1 : i32
    %scan3A = arith.constant 0 : i32
    %scan3A_1 = arith.constant 640 : i32
    %scan3A_2 = arith.addi %scan3A, %scan3A_1 : i32
    %scan3A_3 = arith.constant 1 : i32
    scf.for %scan3A_11 = %scan3A to %scan3A_2 step %scan3A_3  : i32 {
      %mul3A_12 = arith.constant 16 : i32
      %mul3A_13 = arith.muli %scan3A_11, %mul3A_12 : i32
      %add3A_14 = arith.constant 0 : i32
      %add3A_15 = arith.addi %add3A_14, %mul3A_13 : i32
      %broadcast_in_dim3A_16 = arith.constant 0.000000e+00 : f32
      %broadcast_in_dim3A_17 = vector.broadcast %broadcast_in_dim3A_16 : f32 to vector<16xf32>
      %swap3A = arith.index_cast %add3A_15 : i32 to index
      %swap3A_18 = tpu.vector_load %arg5[%swap3A] {strides = array<i32>} : memref<10240xf32, #tpu.memory_space<vmem>>, vector<16xf32>,
      tpu.vector_store %arg5[%swap3A], %broadcast_in_dim3A_17 {strides = array<i32>} : memref<10240xf32, #tpu.memory_space<vmem>>, vector<16xf32>,
    }
    %scan3A_4 = arith.constant 640 : i32
    %broadcast_in_dim3A = arith.constant 1.000000e+00 : f32
    %broadcast_in_dim3A_5 = vector.broadcast %broadcast_in_dim3A : f32 to vector<16xf32>
    %scan3A_6 = arith.constant 0 : i32
    %scan3A_7 = arith.constant 2 : i32
    %scan3A_8 = arith.addi %scan3A_6, %scan3A_7 : i32
    %scan3A_9 = arith.constant 1 : i32
    scf.for %scan3A_11 = %scan3A_6 to %scan3A_8 step %scan3A_9  : i32 {
      %mul3A_12 = arith.constant 1 : i32
      %mul3A_13 = arith.muli %scan3A_11, %mul3A_12 : i32
      %add3A_14 = arith.constant 0 : i32
      %add3A_15 = arith.addi %add3A_14, %mul3A_13 : i32
      "tpu.region"() ({
        %run_scoped3A = tpu.sem_alloc : memref<!tpu.dma_semaphore, #tpu.memory_space<semaphore_mem>>
        %dma_start3A = arith.constant 0 : i32
        %dma_start3A_21 = arith.constant 0 : i32
        %dma_start3A_22 = tpu.memref_slice %arg2[%add3A, %dma_start3A, %dma_start3A_21] : memref<32x2x5120xi32, #tpu.memory_space<hbm>> -> memref<1x2x5120xi32, #tpu.memory_space<hbm>>
        %dma_start3A_23 = tpu.memref_squeeze %dma_start3A_22 : memref<1x2x5120xi32, #tpu.memory_space<hbm>> -> memref<2x5120xi32, #tpu.memory_space<hbm>>
        %dma_start3A_24 = arith.constant 0 : i32
        %dma_start3A_25 = tpu.memref_slice %dma_start3A_23[%add3A_15, %dma_start3A_24] : memref<2x5120xi32, #tpu.memory_space<hbm>> -> memref<1x5120xi32, #tpu.memory_space<hbm>>
        %dma_start3A_26 = tpu.memref_squeeze %dma_start3A_25 : memref<1x5120xi32, #tpu.memory_space<hbm>> -> memref<5120xi32, #tpu.memory_space<hbm>>
        %dma_start3A_27 = arith.constant 0 : i32
        %dma_start3A_28 = arith.constant 0 : i32
        %dma_start3A_29 = tpu.memref_slice %arg2[%add3A, %dma_start3A_27, %dma_start3A_28] : memref<32x2x5120xi32, #tpu.memory_space<hbm>> -> memref<1x2x5120xi32, #tpu.memory_space<hbm>>
        %dma_start3A_30 = tpu.memref_squeeze %dma_start3A_29 : memref<1x2x5120xi32, #tpu.memory_space<hbm>> -> memref<2x5120xi32, #tpu.memory_space<hbm>>
        %dma_start3A_31 = arith.constant 0 : i32
        %dma_start3A_32 = tpu.memref_slice %dma_start3A_30[%add3A_15, %dma_start3A_31] : memref<2x5120xi32, #tpu.memory_space<hbm>> -> memref<1x5120xi32, #tpu.memory_space<hbm>>
        %dma_start3A_33 = tpu.memref_squeeze %dma_start3A_32 : memref<1x5120xi32, #tpu.memory_space<hbm>> -> memref<5120xi32, #tpu.memory_space<hbm>>
        tpu.enqueue_dma source(%dma_start3A_33 : memref<5120xi32, #tpu.memory_space<hbm>>) target(%arg4 : memref<5120xi32, #tpu.memory_space<vmem>>) target_semaphore(%run_scoped3A : memref<!tpu.dma_semaphore, #tpu.memory_space<semaphore_mem>>)
        %dma_wait3A = arith.constant 0 : i32
        %dma_wait3A_34 = arith.constant 0 : i32
        %dma_wait3A_35 = tpu.memref_slice %arg2[%add3A, %dma_wait3A, %dma_wait3A_34] : memref<32x2x5120xi32, #tpu.memory_space<hbm>> -> memref<1x2x5120xi32, #tpu.memory_space<hbm>>
        %dma_wait3A_36 = tpu.memref_squeeze %dma_wait3A_35 : memref<1x2x5120xi32, #tpu.memory_space<hbm>> -> memref<2x5120xi32, #tpu.memory_space<hbm>>
        %dma_wait3A_37 = arith.constant 0 : i32
        %dma_wait3A_38 = tpu.memref_slice %dma_wait3A_36[%add3A_15, %dma_wait3A_37] : memref<2x5120xi32, #tpu.memory_space<hbm>> -> memref<1x5120xi32, #tpu.memory_space<hbm>>
        %dma_wait3A_39 = tpu.memref_squeeze %dma_wait3A_38 : memref<1x5120xi32, #tpu.memory_space<hbm>> -> memref<5120xi32, #tpu.memory_space<hbm>>
        %dma_wait3A_40 = arith.constant 0 : i32
        %dma_wait3A_41 = arith.constant 0 : i32
        %dma_wait3A_42 = tpu.memref_slice %arg2[%add3A, %dma_wait3A_40, %dma_wait3A_41] : memref<32x2x5120xi32, #tpu.memory_space<hbm>> -> memref<1x2x5120xi32, #tpu.memory_space<hbm>>
        %dma_wait3A_43 = tpu.memref_squeeze %dma_wait3A_42 : memref<1x2x5120xi32, #tpu.memory_space<hbm>> -> memref<2x5120xi32, #tpu.memory_space<hbm>>
        %dma_wait3A_44 = arith.constant 0 : i32
        %dma_wait3A_45 = tpu.memref_slice %dma_wait3A_43[%add3A_15, %dma_wait3A_44] : memref<2x5120xi32, #tpu.memory_space<hbm>> -> memref<1x5120xi32, #tpu.memory_space<hbm>>
        %dma_wait3A_46 = tpu.memref_squeeze %dma_wait3A_45 : memref<1x5120xi32, #tpu.memory_space<hbm>> -> memref<5120xi32, #tpu.memory_space<hbm>>
        tpu.wait_dma2 semaphore(%run_scoped3A : memref<!tpu.dma_semaphore, #tpu.memory_space<semaphore_mem>>) src(%dma_wait3A_46 : memref<5120xi32, #tpu.memory_space<hbm>>) dst(%arg4 : memref<5120xi32, #tpu.memory_space<vmem>>)
        tpu.yield
      }) : () -> ()
      %scan3A_16 = arith.constant 0 : i32
      %scan3A_17 = arith.constant 320 : i32
      %scan3A_18 = arith.addi %scan3A_16, %scan3A_17 : i32
      %scan3A_19 = arith.constant 1 : i32
      scf.for %scan3A_21 = %scan3A_16 to %scan3A_18 step %scan3A_19  : i32 {
        %mul3A_22 = arith.constant 16 : i32
        %mul3A_23 = arith.muli %scan3A_21, %mul3A_22 : i32
        %add3A_24 = arith.constant 0 : i32
        %add3A_25 = arith.addi %add3A_24, %mul3A_23 : i32
        %get3A = arith.index_cast %add3A_25 : i32 to index
        %get3A_26 = tpu.vector_load %arg4[%get3A] {strides = array<i32>} : memref<5120xi32, #tpu.memory_space<vmem>>, vector<16xi32>,
        tpu.vector_store_idx %arg5[%get3A_26], %broadcast_in_dim3A_5 {add = true} : memref<10240xf32, #tpu.memory_space<vmem>>[vector<16xi32>], vector<16xf32>,
      }
      %scan3A_20 = arith.constant 320 : i32
    }
    %scan3A_10 = arith.constant 2 : i32
    "tpu.region"() ({
      %run_scoped3A = tpu.sem_alloc : memref<!tpu.dma_semaphore, #tpu.memory_space<semaphore_mem>>
      %dma_start3A = arith.constant 0 : i32
      %dma_start3A_11 = tpu.memref_slice %arg3[%add3A, %dma_start3A] : memref<32x10240xf32, #tpu.memory_space<hbm>> -> memref<1x10240xf32, #tpu.memory_space<hbm>>
      %dma_start3A_12 = tpu.memref_squeeze %dma_start3A_11 : memref<1x10240xf32, #tpu.memory_space<hbm>> -> memref<10240xf32, #tpu.memory_space<hbm>>
      %dma_start3A_13 = arith.constant 0 : i32
      %dma_start3A_14 = tpu.memref_slice %arg3[%add3A, %dma_start3A_13] : memref<32x10240xf32, #tpu.memory_space<hbm>> -> memref<1x10240xf32, #tpu.memory_space<hbm>>
      %dma_start3A_15 = tpu.memref_squeeze %dma_start3A_14 : memref<1x10240xf32, #tpu.memory_space<hbm>> -> memref<10240xf32, #tpu.memory_space<hbm>>
      tpu.enqueue_dma source(%arg5 : memref<10240xf32, #tpu.memory_space<vmem>>) target(%dma_start3A_15 : memref<10240xf32, #tpu.memory_space<hbm>>) target_semaphore(%run_scoped3A : memref<!tpu.dma_semaphore, #tpu.memory_space<semaphore_mem>>)
      %dma_wait3A = arith.constant 0 : i32
      %dma_wait3A_16 = tpu.memref_slice %arg3[%add3A, %dma_wait3A] : memref<32x10240xf32, #tpu.memory_space<hbm>> -> memref<1x10240xf32, #tpu.memory_space<hbm>>
      %dma_wait3A_17 = tpu.memref_squeeze %dma_wait3A_16 : memref<1x10240xf32, #tpu.memory_space<hbm>> -> memref<10240xf32, #tpu.memory_space<hbm>>
      %dma_wait3A_18 = arith.constant 0 : i32
      %dma_wait3A_19 = tpu.memref_slice %arg3[%add3A, %dma_wait3A_18] : memref<32x10240xf32, #tpu.memory_space<hbm>> -> memref<1x10240xf32, #tpu.memory_space<hbm>>
      %dma_wait3A_20 = tpu.memref_squeeze %dma_wait3A_19 : memref<1x10240xf32, #tpu.memory_space<hbm>> -> memref<10240xf32, #tpu.memory_space<hbm>>
      tpu.wait_dma2 semaphore(%run_scoped3A : memref<!tpu.dma_semaphore, #tpu.memory_space<semaphore_mem>>) src(%arg5 : memref<10240xf32, #tpu.memory_space<vmem>>) dst(%dma_wait3A_20 : memref<10240xf32, #tpu.memory_space<hbm>>)
      tpu.yield
    }) : () -> ()
    return
  }
}

module attributes {stable_mosaic.version = 14 : i64} {
  func.func @body(%arg0: memref<2x10240x128xf32, #tpu.memory_space<vmem>>, %arg1: memref<32x10240xf32, #tpu.memory_space<vmem>>, %arg2: memref<10000x128xf32, #tpu.memory_space<vmem>>, %arg3: memref<128x128xf32, #tpu.memory_space<vmem>>, %arg4: memref<1x128xf32, #tpu.memory_space<vmem>>, %arg5: memref<128x128xf32, #tpu.memory_space<vmem>>, %arg6: memref<10000x128xf32, #tpu.memory_space<vmem>>) attributes {dimension_semantics = [], scalar_prefetch = 0 : i64, scratch_operands = 0 : i64, tpu.core_type = #tpu.core_type<tc>} {
    %get3A = arith.constant 0 : index
    %get3A_0 = arith.constant 0 : index
    %get3A_1 = arith.constant 0 : index
    %get3A_2 = vector.load %arg0[%get3A, %get3A_0, %get3A_1] : memref<2x10240x128xf32, #tpu.memory_space<vmem>>, vector<1x10240x128xf32>
    %get3A_3 = vector.shape_cast %get3A_2 : vector<1x10240x128xf32> to vector<10240x128xf32>
    %get3A_4 = arith.constant 1 : index
    %get3A_5 = arith.constant 0 : index
    %get3A_6 = arith.constant 0 : index
    %get3A_7 = vector.load %arg0[%get3A_4, %get3A_5, %get3A_6] : memref<2x10240x128xf32, #tpu.memory_space<vmem>>, vector<1x10240x128xf32>
    %get3A_8 = vector.shape_cast %get3A_7 : vector<1x10240x128xf32> to vector<10240x128xf32>
    %add3A = arith.addf %get3A_3, %get3A_8 : vector<10240x128xf32>
    %get3A_9 = arith.constant 0 : index
    %get3A_10 = arith.constant 0 : index
    %get3A_11 = vector.load %arg1[%get3A_9, %get3A_10] : memref<32x10240xf32, #tpu.memory_space<vmem>>, vector<32x10240xf32>
    %reduce_sum3A = arith.constant dense<0.000000e+00> : vector<10240xf32>
    %reduce_sum3A_12 = vector.multi_reduction <add>, %get3A_11, %reduce_sum3A [0] : vector<32x10240xf32> to vector<10240xf32>
    %reshape3A = vector.shape_cast %reduce_sum3A_12 : vector<10240xf32> to vector<10240x1xf32>
    %max3A = arith.constant 1.000000e+00 : f32
    %max3A_13 = vector.broadcast %max3A : f32 to vector<10240x1xf32>
    %max3A_14 = arith.maximumf %reshape3A, %max3A_13 : vector<10240x1xf32>
    %div3A = vector.broadcast %max3A_14 : vector<10240x1xf32> to vector<10240x128xf32>
    %div3A_15 = arith.divf %add3A, %div3A : vector<10240x128xf32>
    %slice3A = vector.extract_strided_slice %div3A_15 {offsets = [0, 0], sizes = [10000, 128], strides = [1, 1]} : vector<10240x128xf32> to vector<10000x128xf32>
    %get3A_16 = arith.constant 0 : index
    %get3A_17 = arith.constant 0 : index
    %get3A_18 = vector.load %arg3[%get3A_16, %get3A_17] : memref<128x128xf32, #tpu.memory_space<vmem>>, vector<128x128xf32>
    %dot_general3A = arith.constant dense<0.000000e+00> : vector<10000x128xf32>
    %dot_general3A_19 = tpu.matmul %slice3A, %get3A_18, %dot_general3A {dimension_numbers = #tpu.dot_dimension_numbers<[1], [0], [0], [1], [0, 0, 1, 1], [], []>, transpose_lhs_hint = false} : vector<10000x128xf32>, vector<128x128xf32>, vector<10000x128xf32> -> vector<10000x128xf32>
    %get3A_20 = arith.constant 0 : index
    %get3A_21 = arith.constant 0 : index
    %get3A_22 = vector.load %arg4[%get3A_20, %get3A_21] : memref<1x128xf32, #tpu.memory_space<vmem>>, vector<1x128xf32>
    %add3A_23 = vector.broadcast %get3A_22 : vector<1x128xf32> to vector<10000x128xf32>
    %add3A_24 = arith.addf %dot_general3A_19, %add3A_23 : vector<10000x128xf32>
    %get3A_25 = arith.constant 0 : index
    %get3A_26 = arith.constant 0 : index
    %get3A_27 = vector.load %arg2[%get3A_25, %get3A_26] : memref<10000x128xf32, #tpu.memory_space<vmem>>, vector<10000x128xf32>
    %get3A_28 = arith.constant 0 : index
    %get3A_29 = arith.constant 0 : index
    %get3A_30 = vector.load %arg5[%get3A_28, %get3A_29] : memref<128x128xf32, #tpu.memory_space<vmem>>, vector<128x128xf32>
    %dot_general3A_31 = arith.constant dense<0.000000e+00> : vector<10000x128xf32>
    %dot_general3A_32 = tpu.matmul %get3A_27, %get3A_30, %dot_general3A_31 {dimension_numbers = #tpu.dot_dimension_numbers<[1], [0], [0], [1], [0, 0, 1, 1], [], []>, transpose_lhs_hint = false} : vector<10000x128xf32>, vector<128x128xf32>, vector<10000x128xf32> -> vector<10000x128xf32>
    %add3A_33 = arith.addf %add3A_24, %dot_general3A_32 : vector<10000x128xf32>
    %swap3A = arith.constant 0 : index
    %swap3A_34 = arith.constant 0 : index
    %swap3A_35 = vector.load %arg6[%swap3A, %swap3A_34] : memref<10000x128xf32, #tpu.memory_space<vmem>>, vector<10000x128xf32>
    tpu.vector_store %arg6[%swap3A, %swap3A_34], %add3A_33 {strides = array<i32>} : memref<10000x128xf32, #tpu.memory_space<vmem>>, vector<10000x128xf32>,
    return
  }
}

</mosaic_0001>

<sc_bundles>
// kernel: kernel.5.cloned.1.call-start
scs
__scs_entry_jumppad:
0x0: {  	(pc) =	sbr.rel $0x88, $3  }
0x1: {  	(tag) =	ssettag $0x0;
	lr =	simm.s32 $0x1  }
0x2: {  	[smem:$0x3F9C] =	sst lr;
	_ =	strace $0xD0000000  }
0x3: {  	_ = 	snop  }
0x4: {  	_ = 	snop  }
0x5: {  	_ = 	snop  }
0x6: {  	_ = 	snop  }
0x7: {  	_ = 	snop  }
__scs_overlays_trampoline_lowered:
0x8: {  	[smem:$0x3FAB] =	sst s0  }
0x9: {  	[smem:$0x3FAC] =	sst s1  }
0xa: {  	[smem:$0x3FAD] =	sst s2  }
0xb: {  	[smem:$0x3FAE] =	sst s3  }
0xc: {  	[smem:$0x3FAF] =	sst s4  }
0xd: {  	[smem:$0x3FB0] =	sst s5  }
0xe: {  	[smem:$0x3FB1] =	sst s6  }
0xf: {  	[smem:$0x3FB2] =	sst s7  }
0x10: {  	[smem:$0x3FB3] =	sst s8  }
0x11: {  	[smem:$0x3FB4] =	sst s9;
	s0 =	simm.s32 @!p0 $0x0  }
0x12: {  	s1 =	sld [smem:$0x3F9A];
	s0 =	simm.s32 @p0 $0x1  }
0x13: {  	[smem:$0x3FB5] =	sst s0;
	s0 =	simm.s32 @!p1 $0x0  }
0x14: {  	s2 =	sld [smem:$0x3F99];
	s0 =	simm.s32 @p1 $0x1  }
0x15: {  	[smem:$0x3FB6] =	sst s0;
	s0 =	simm.s32 @!p2 $0x0  }
0x16: {  	s3 =	sld [smem:$0x3FDB];
	s0 =	simm.s32 @p2 $0x1  }
0x17: {  	s4 =	simm.s32 $0x1BF5;
	[smem:$0x3FB8] =	sst s0  }
0x18: {  	s0 =	sld [smem:$0x3F9B];
	_ =	swait.ge [sflag:s4], $0x0  }
0x19: {  	s7 =	sld [smem:$0x3F9C]  }
0x1a: {  	s8 =	sadd.s32 $0xFFFFE003, lr  }
0x1b: {  	s9 =	sadd.s32 $0xFFFFFEF7, lr;
	s5 =	simm.s32 $0xFFFFFFFF;
	p2 =	slt.u32 s8, $0xFFFFF086  }
0x1c: {  	p1 =	slt.u32 s9, $0xF7A;
	s5 =	simm.s32 @!p2 $0x0  }
0x1d: {  	s5 =	simm.s32 @p1 $0x1;
	p0 =	seq.s32 s7, s2  }
0x1e: {  	s7 =	smul.u32 @!p0 $0xF7A, s2;
	p2 =	seq.s32 @!p0 s5, $0x0  }
0x1f: {  	s9 =	smul.u32 $0xF7A, s1;
	s8 =	simm.s32 @!p0 $0x1BF5;
	p2 =	por !p2, p0  }
0x20: {  	[sflag:s8] =	ssyncset.s32 @!p0 $0xFFFFF086;
	s6 =	sadd.s32 @!p0 s3, s7;
	s7 =	simm.s32 @!p0 $0x108  }
0x21: {  	s3 =	sadd.s32 s3, s9;
	s6 =	sadd.s32 @!p0 $0x88, s6;
	s7 =	simm.s32 @p2 $0x1082  }
0x22: {  	[simem:s7], [sflag:s8] =	dma.local @!p0 [hbm:s6], $0xF7A  }
0x23: {  	s9 =	sor.u32 $0xD0000000, s2;
	s6 =	simm.s32 $0x108;
	_ =	swait.ge @!p0 [sflag:s8], $0x0  }
0x24: {  	s3 =	sadd.s32 $0x88, s3;
	s6 =	simm.s32 @!p1 $0x1082;
	[sflag:s4] =	ssyncset.s32 $0xFFFFF086  }
0x25: {  	[simem:s6], [sflag:s4] =	dma.local [hbm:s3], $0xF7A  }
0x26: {  	[smem:$0x3F9C] =	sst s1;
	(tag) =	ssettag s2;
	_ =	strace s9  }
0x27: {  	s1 =	sld [smem:$0x3FAC]  }
0x28: {  	s2 =	sld [smem:$0x3FAD]  }
0x29: {  	s4 =	sld [smem:$0x3FAF]  }
0x2a: {  	p0 =	seq.s32 s5, $0x0;
	s5 =	sld [smem:$0x3FB0]  }
0x2b: {  	s6 =	sld [smem:$0x3FB1]  }
0x2c: {  	s7 =	sld [smem:$0x3FB2]  }
0x2d: {  	s3 =	simm.s32 $0x108;
	s8 =	sld [smem:$0x3FB3]  }
0x2e: {  	s3 =	simm.s32 @!p0 $0x1082;
	s9 =	sld [smem:$0x3FB4]  }
0x2f: {  	lr =	sadd.s32 s0, s3;
	s0 =	sld [smem:$0x3FAB]  }
0x30: {  	s3 =	sld [smem:$0x3FAE]  }
0x31: {  	[smem:$0x3FB7] =	sst s10  }
0x32: {  	s10 =	sld [smem:$0x3FB5];
	_ =	sdelay $0x3  }
0x33: {  	p0 =	seq.s32 s10, $0x1;
	s10 =	sld [smem:$0x3FB7];
	_ =	sdelay $0x3  }
0x34: {  	[smem:$0x3FB7] =	sst s10  }
0x35: {  	s10 =	sld [smem:$0x3FB6];
	_ =	sdelay $0x3  }
0x36: {  	p1 =	seq.s32 s10, $0x1;
	s10 =	sld [smem:$0x3FB7];
	_ =	sdelay $0x3  }
0x37: {  	[smem:$0x3FB7] =	sst s10  }
0x38: {  	s10 =	sld [smem:$0x3FB8]  }
0x39: {  	_ = 	snop;
	(pc) =	sbr.ind lr, $3  }
0x3a: {  	_ = 	snop  }
0x3b: {  	_ = 	snop  }
0x3c: {  	p2 =	seq.s32 s10, $0x1;
	s10 =	sld [smem:$0x3FB7]  }
0x3d: {  	_ =	shalt  }
0x3e: {  	_ =	shalt  }
0x3f: {  	_ =	shalt  }
0x40: {  	_ =	shalt  }
0x41: {  	_ =	shalt  }
0x42: {  	_ =	shalt  }
0x43: {  	_ =	shalt  }
0x44: {  	_ =	shalt  }
0x45: {  	_ =	shalt  }
0x46: {  	_ =	shalt  }
0x47: {  	_ =	shalt  }
0x48: {  	_ =	shalt  }
0x49: {  	_ =	shalt  }
0x4a: {  	_ =	shalt  }
0x4b: {  	_ =	shalt  }
0x4c: {  	_ =	shalt  }
0x4d: {  	_ =	shalt  }
0x4e: {  	_ =	shalt  }
0x4f: {  	_ =	shalt  }
0x50: {  	_ =	shalt  }
0x51: {  	_ =	shalt  }
0x52: {  	_ =	shalt  }
0x53: {  	_ =	shalt  }
0x54: {  	_ =	shalt  }
0x55: {  	_ =	shalt  }
0x56: {  	_ =	shalt  }
0x57: {  	_ =	shalt  }
0x58: {  	_ =	shalt  }
0x59: {  	_ =	shalt  }
0x5a: {  	_ =	shalt  }
0x5b: {  	_ =	shalt  }
0x5c: {  	_ =	shalt  }
0x5d: {  	_ =	shalt  }
0x5e: {  	_ =	shalt  }
0x5f: {  	_ =	shalt  }
0x60: {  	_ =	shalt  }
0x61: {  	_ =	shalt  }
0x62: {  	_ =	shalt  }
0x63: {  	_ =	shalt  }
0x64: {  	_ =	shalt  }
0x65: {  	_ =	shalt  }
0x66: {  	_ =	shalt  }
0x67: {  	_ =	shalt  }
0x68: {  	_ =	shalt  }
0x69: {  	_ =	shalt  }
0x6a: {  	_ =	shalt  }
0x6b: {  	_ =	shalt  }
0x6c: {  	_ =	shalt  }
0x6d: {  	_ =	shalt  }
0x6e: {  	_ =	shalt  }
0x6f: {  	_ =	shalt  }
0x70: {  	_ =	shalt  }
0x71: {  	_ =	shalt  }
0x72: {  	_ =	shalt  }
0x73: {  	_ =	shalt  }
0x74: {  	_ =	shalt  }
0x75: {  	_ =	shalt  }
0x76: {  	_ =	shalt  }
0x77: {  	_ =	shalt  }
0x78: {  	_ =	shalt  }
0x79: {  	_ =	shalt  }
0x7a: {  	_ =	shalt  }
0x7b: {  	_ =	shalt  }
0x7c: {  	_ =	shalt  }
0x7d: {  	_ =	shalt  }
0x7e: {  	_ =	shalt  }
0x7f: {  	_ =	shalt  }
0x80: {  	_ =	shalt  }
0x81: {  	_ =	shalt  }
0x82: {  	_ =	shalt  }
0x83: {  	_ =	shalt  }
0x84: {  	_ =	shalt  }
0x85: {  	_ =	shalt  }
0x86: {  	_ =	shalt  }
0x87: {  	_ =	shalt  }
.Lfunc_end0:
.L_simem_size_0:
called_computation_lowered:
.L_overlay_start_0:
0x88: {  	s2 =	sld [smem:$0x3FD9]  }
0x89: {  	s3 =	sld [smem:$0x3FFE];
	_ =	sdelay $0x1  }
0x8a: {  	s1 =	srdreg.scid  }
0x8b: {  	s0 =	sand.u32 $0x1, s1  }
0x8c: {  	s17 =	sshll.u32 s0, $0xA;
	s2 =	sadd.s32 s3, s2  }
0x8d: {  	s2 =	sadd.s32 s2, s17  }
0x8e: {  	[smem:$0x3FC3] =	sst s2  }
0x8f: {  	_ = 	snop  }
0x90: {  	s18 =	sld [smem:$0x3FC9]  }
0x91: {  	s4 =	sld [smem:$0x3FD0];
	(tm) =	ssettm $0x1  }
0x92: {  	s19 =	sld [smem:$0x3FFB];
	_ =	sdelay $0x3  }
0x93: {  	_ =	strace s19  }
0x94: {  	s2 =	sld [smem:$0x3FFC];
	_ =	sdelay $0x3  }
0x95: {  	_ =	strace s2  }
0x96: {  	s2 =	sld [smem:$0x3FFD];
	_ =	sdelay $0x3  }
0x97: {  	_ =	strace s2  }
0x98: {  	_ =	strace $0x8FFFFFFF  }
0x99: {  	s20 =	sld [smem:$0x3FDB];
	_ =	sdelay $0x1  }
0x9a: {  	s5 =	simm.s32 $_scs_section_size  }
0x9b: {  	s6 =	simm.s32 $_size__tile_overlayer_lowered;
	s7 =	simm.s32 $_tile_overlayer_lowered  }
0x9c: {  	s8 =	simm.s32 $0x1BFF;
	s21 =	sshll.u32 s7, $0x1;
	s5 =	sadd.s32 s5, s20  }
0x9d: {  	s22 =	simm.s32 $0x0;
	s6 =	sshll.u32 s6, $0x1;
	s7 =	sadd.s32 s21, s5  }
0x9e: {  	[timem:s22], [sflag:s8] =	dma.local [hbm:s7], s6  }
0x9f: {  	_ =	swait.ge [sflag:s8], s6  }
0xa0: {  	s6 =	ssub.s32 $0x0, s6;
	[sflag:s8] =	ssyncset.done $0x0  }
0xa1: {  	[sflag:s8] =	ssyncadd.s32 s6;
	_ =	sdelay $0x1  }
0xa2: {  	s23 =	simm.s32 $0x1B8B  }
0xa3: {  	_ =	swait.ge [sflag:s23], $0x1  }
0xa4: {  	[sflag:s23] =	ssyncset.done $0x0  }
0xa5: {  	[sflag:s23] =	ssyncadd.s32 $0xFFFFFFFF  }
0xa6: {  	s6 =	sld [smem:$0x0]  }
0xa7: {  	s7 =	sand.u32 $0xFFFFFFFE, s1  }
0xa8: {  	p0 =	sne.s32 s1, s7  }
0xa9: {  	s7 =	sshll.u32 @p0 s7, $0xE  }
0xaa: {  	s7 =	sadd.s32 @p0 $0x11B8D, s7;
	s8 =	sshll.u32 @p0 s6, $0x11  }
0xab: {  	s7 =	sor.u32 @p0 s8, s7  }
0xac: {  	[sflag:s7] =	ssyncadd.remote.s32 @p0 $0x1;
	_ =	sdelay $0x1  }
0xad: {  	s7 =	simm.s32 @p0 $0x1B8D  }
0xae: {  	_ =	swait.eq @p0 [sflag:s7], $0x1  }
0xaf: {  	[sflag:s7] =	ssyncadd.s32 @p0 $0xFFFFFFFF  }
0xb0: {  	s8 =	sshll.u32 @!p0 s1, $0xE  }
0xb1: {  	s8 =	sor.u32 @!p0 $0x4000, s8;
	s7 =	simm.s32 @!p0 $0x1B8D  }
0xb2: {  	s6 =	sshll.u32 @!p0 s6, $0x11;
	s8 =	sadd.s32 @!p0 $0x11B8D, s8;
	_ =	swait.eq @!p0 [sflag:s7], $0x1  }
0xb3: {  	s6 =	sor.u32 @!p0 s6, s8;
	[sflag:s7] =	ssyncadd.s32 @!p0 $0xFFFFFFFF  }
0xb4: {  	s25 =	simm.s32 $0x1B8E;
	s24 =	sld [smem:$0x3FFE];
	[sflag:s6] =	ssyncadd.remote.s32 @!p0 $0x1  }
0xb5: {  	s26 =	simm.s32 $execute0_lowered;
	[smem:$0x3FD2] =	sst s25  }
0xb6: {  	s7 =	sshll.u32 s26, $0x1;
	_ =	strace $0x80000049;
	[dreg:$0x1] =	wrdreg $0xFFFFFFFF  }
0xb7: {  	s28 =	simm.s32 $_size_execute0_lowered;
	s5 =	sadd.s32 s5, s7;
	[dreg:$0x0] =	wrdreg $0x0  }
0xb8: {  	s7 =	sshll.u32 s28, $0x1;
	[dreg:$0x2] =	wrdreg s5  }
0xb9: {  	[dreg:$0x3] =	wrdreg s7  }
0xba: {  	[dreg:$0x4] =	wrdreg $0xC0  }
0xbb: {  	_ =	task [dreg:s22], $0x5FFFF  }
0xbc: {  	[dreg:$0x1] =	wrdreg $0xFFFFFFFF  }
0xbd: {  	[dreg:$0x0] =	wrdreg $0x60  }
0xbe: {  	[dreg:$0x2] =	wrdreg s18  }
0xbf: {  	[dreg:$0x3] =	wrdreg s4  }
0xc0: {  	[dreg:$0x4] =	wrdreg s24  }
0xc1: {  	[dreg:$0x5] =	wrdreg $0x0  }
0xc2: {  	[dreg:$0x6] =	wrdreg $0x9  }
0xc3: {  	_ =	task.clear_ibuf [dreg:s22], $0x7FFFF;
	_ =	strace $0x90000049  }
0xc4: {  	s29 =	simm.s32 $0x9;
	_ =	strace $0x8000004B  }
0xc5: {  	_ =	swait.ge [sflag:s29], $0x1  }
0xc6: {  	[sflag:s29] =	ssyncadd.s32 $0xFFFFFFFF  }
0xc7: {  	_ =	strace $0x9000004B  }
0xc8: {  	_ =	sfence  }
0xc9: {  	s30 =	sld [smem:$0x0];
	_ =	sdelay $0x2  }
0xca: {  	s31 =	sshll.u32 s1, $0xD;
	s1 =	sshrl.u32 s1, $0x2  }
0xcb: {  	s4 =	sand.u32 $0x4000, s31;
	s1 =	sadd.s32 s1, s30  }
0xcc: {  	s0 =	sor.u32 s4, s0;
	s1 =	sshll.u32 s1, $0x11  }
0xcd: {  	s0 =	sor.u32 s1, s0  }
0xce: {  	s0 =	sadd.s32 $0x8F2B, s0  }
0xcf: {  	[sflag:s0] =	ssyncadd.remote.s32 $0x1  }
0xd0: {  	_ =	sfence.sel $0xFFFF  }
0xd1: {  	[dreg:$0x0] =	wrdreg $0xFFFFFFFF;
	(pc) =	sbr.abs _section_cstart, $3  }
0xd2: {  	[dreg:$0x1] =	wrdreg $0xFFFFFFFF  }
0xd3: {  	_ =	task.clear_ibuf [dreg:s22], $0x2FFFF;
	_ =	strace $0x9FFFFFFF  }
0xd4: {  	(tm) =	ssettm $0x7FFFFFFF  }
0xd5: {  	_ =	shalt  }
tec
execute0_lowered:
.L_overlay_start_1:
0x0: {  	(tag) =	ssettag $0x1  }
0x1: {  	s1 =	rddreg [dreg:$0x0]  }
0x2: {  	s0 =	srdreg.scid;
	s10 =	rddreg [dreg:$0x1]  }
0x3: {  	s22 =	stileid.u32;
	s5 =	rddreg [dreg:$0x2]  }
0x4: {  	s18 =	simm.s32 $0x80;
	s19 =	simm.s32 $0x1;
	s7 =	smul.u32 $0x280, s22  }
0x5: {  	s28 =	simm.s32 $0x15480;
	s29 =	simm.s32 $0x14100;
	s8 =	smul.u32 $0x50000, s22  }
0x6: {  	s30 =	simm.s32 $0x0;
	s2 =	sand.u32 $0x1, s0;
	s20 =	smul.u32 $0x2800, s22  }
0x7: {  	s3 =	sshll.u32 s2, $0x4;
	s6 =	smul.u32 $0x28000, s2;
	s2 =	ssub.s32 $0x2, s2  }
0x8: {  	s4 =	sor.u32 s22, s3;
	s3 =	rddreg [dreg:$0x3];
	s23 =	sshrl.u32 s2, $0x1  }
0x9: {  	s24 =	sshrl.u32 s8, $0x2;
	s14 =	sadd.s32 $0x80, s7;
	s15 =	sadd.s32 $0x100, s7  }
0xa: {  	s16 =	sadd.s32 $0x180, s7;
	s17 =	sadd.s32 $0x200, s7;
	s11 =	smul.u32 $0x500, s4  }
0xb: {  	s4 =	simm.s32 $0x0;
	s13 =	sadd.s32 s6, s5;
	s2 =	ssub.s32 s2, s23  }
0xc: {  	s25 =	sshll.u32 s14, $0x7;
	s26 =	sshll.u32 s15, $0x7;
	s9 =	sshll.u32 s16, $0x7  }
0xd: {  	s31 =	sshll.u32 s17, $0x7;
	s21 =	sshll.u32 s14, $0x4;
	s22 =	sshll.u32 s15, $0x4  }
0xe: {  	s23 =	sshll.u32 s16, $0x4;
	s14 =	simm.s32 $0x2;
	s15 =	simm.s32 $0x14000  }
0xf: {  	s16 =	simm.s32 $0x3;
	[smem:$0x7FF] =	sst s4;
	s6 =	sadd.s32 s25, s3  }
0x10: {  	s7 =	sadd.s32 s26, s3;
	s8 =	sadd.s32 s9, s3;
	s9 =	sadd.s32 s31, s3  }
0x11: {  	s25 =	sshll.u32 s17, $0x4;
	s17 =	simm.s32 $0x15400;
	s26 =	simm.s32 $0x1A800  }
.Ltmp0:
0x12: {  	_ =	strace $0x8000004A;
	s12 =	sadd.s32 s11, s5;
	(pc) =	sbr.rel .LBB2_1-.Ltmp0, $4  }
0x13: {  	s5 =	sadd.s32 s24, s3;
	s10 =	sadd.s32 s10, s11;
	s24 =	sadd.s32 $0x1F600, s13  }
0x14: {  	s13 =	simm.s32 $0x16800;
	s11 =	sadd.s32 $0x1600, s12;
	s12 =	smax.u32 s2, $0x1  }
0x15: {  	s20 =	sadd.s32 s20, s24;
	s21 =	sadd.s32 s21, s24;
	s22 =	sadd.s32 s22, s24  }
0x16: {  	v0 =	vimm.f32 $0.0e+00;
	s23 =	sadd.s32 s23, s24;
	s24 =	sadd.s32 s25, s24;
	s25 =	simm.s32 $0x14080  }
.LBB2_9:
0x17: {  	_ =	swait.ge [sflag:s14], $0x4000  }
0x18: {  	[sflag:s14] =	ssyncset.done $0x0  }
0x19: {  	[sflag:s14] =	ssyncadd.s32 $0xFFFFC000  }
0x1a: {  	[bflag:$0x0] =	sbarrier.arrive $0xFFFF  }
0x1b: {  	[tilespmem:s13], [sflag:$0x3] =	stream.linear.gather [spmem:s5], $0x4000, $0x38;
	[tilespmem:$0x1E800] =	vst v63  }
0x1c: {  	_ =	swait.ge [sflag:s16], $0x4000  }
0x1d: {  	[sflag:s16] =	ssyncset.done $0x0  }
0x1e: {  	[sflag:s16] =	ssyncadd.s32 $0xFFFFC000  }
0x1f: {  	[hbm4b:s20+s4] =	stream.linear.scatter [tilespmem:s13], [sflag:$0x3], $0x4000, $0x38;
	[tilespmem:$0x1E800] =	vst v63  }
0x20: {  	_ =	swait.ge [sflag:s16], $0x4000  }
0x21: {  	[sflag:s16] =	ssyncset.done $0x0  }
0x22: {  	[sflag:s16] =	ssyncadd.s32 $0xFFFFC000  }
0x23: {  	[tilespmem:s13], [sflag:$0x3] =	stream.linear.gather [spmem:s6], $0x4000, $0x38;
	[tilespmem:$0x1E800] =	vst v63  }
0x24: {  	_ =	swait.ge [sflag:s16], $0x4000  }
0x25: {  	[sflag:s16] =	ssyncset.done $0x0  }
0x26: {  	[sflag:s16] =	ssyncadd.s32 $0xFFFFC000  }
0x27: {  	[hbm4b:s21+s4] =	stream.linear.scatter [tilespmem:s13], [sflag:$0x3], $0x4000, $0x38;
	[tilespmem:$0x1E800] =	vst v63  }
0x28: {  	_ =	swait.ge [sflag:s16], $0x4000  }
0x29: {  	[sflag:s16] =	ssyncset.done $0x0  }
0x2a: {  	[sflag:s16] =	ssyncadd.s32 $0xFFFFC000  }
0x2b: {  	[tilespmem:s13], [sflag:$0x3] =	stream.linear.gather [spmem:s7], $0x4000, $0x38;
	[tilespmem:$0x1E800] =	vst v63  }
0x2c: {  	_ =	swait.ge [sflag:s16], $0x4000  }
0x2d: {  	[sflag:s16] =	ssyncset.done $0x0  }
0x2e: {  	[sflag:s16] =	ssyncadd.s32 $0xFFFFC000  }
0x2f: {  	[hbm4b:s22+s4] =	stream.linear.scatter [tilespmem:s13], [sflag:$0x3], $0x4000, $0x38;
	[tilespmem:$0x1E800] =	vst v63  }
0x30: {  	_ =	swait.ge [sflag:s16], $0x4000  }
0x31: {  	[sflag:s16] =	ssyncset.done $0x0  }
0x32: {  	[sflag:s16] =	ssyncadd.s32 $0xFFFFC000  }
0x33: {  	[tilespmem:s13], [sflag:$0x3] =	stream.linear.gather [spmem:s8], $0x4000, $0x38;
	[tilespmem:$0x1E800] =	vst v63  }
0x34: {  	_ =	swait.ge [sflag:s16], $0x4000  }
0x35: {  	[sflag:s16] =	ssyncset.done $0x0  }
0x36: {  	[sflag:s16] =	ssyncadd.s32 $0xFFFFC000  }
0x37: {  	[hbm4b:s23+s4] =	stream.linear.scatter [tilespmem:s13], [sflag:$0x3], $0x4000, $0x38;
	[tilespmem:$0x1E800] =	vst v63  }
0x38: {  	_ =	swait.ge [sflag:s16], $0x4000  }
0x39: {  	[sflag:s16] =	ssyncset.done $0x0  }
0x3a: {  	[sflag:s16] =	ssyncadd.s32 $0xFFFFC000  }
0x3b: {  	[tilespmem:s13], [sflag:$0x3] =	stream.linear.gather [spmem:s9], $0x4000, $0x38;
	[tilespmem:$0x1E800] =	vst v63  }
0x3c: {  	s30 =	sadd.s32 $0x1, s30;
	_ =	swait.ge [sflag:s16], $0x4000  }
0x3d: {  	p0 =	sne.s32 s30, s12;
	[sflag:s16] =	ssyncset.done $0x0  }
.Ltmp1:
0x3e: {  	[sflag:s16] =	ssyncadd.s32 $0xFFFFC000;
	(pc) =	sbr.rel @!p0 .LBB2_10-.Ltmp1, $4  }
0x3f: {  	[hbm4b:s24+s4] =	stream.linear.scatter [tilespmem:s13], [sflag:$0x3], $0x4000, $0x38;
	[tilespmem:$0x1E800] =	vst v63  }
0x40: {  	_ =	swait.ge [sflag:s16], $0x4000  }
0x41: {  	[sflag:s16] =	ssyncset.done $0x0  }
0x42: {  	[sflag:s16] =	ssyncadd.s32 $0xFFFFC000  }
.LBB2_1:
0x43: {  	s31 =	simm.s32 $0x0;
	s2 =	simm.s32 $0x200  }
.LBB2_2:
0x44: {  	p0 =	sne.s32 s2, $0xFE00;
	[tilespmem:s31+$0x16870] =	vst v0  }
0x45: {  	[tilespmem:s31+$0x16800] =	vst v0  }
0x46: {  	[tilespmem:s31+$0x16810] =	vst v0  }
.Ltmp2:
0x47: {  	[tilespmem:s31+$0x16820] =	vst v0;
	(pc) =	sbr.rel @p0 .LBB2_2-.Ltmp2, $4  }
0x48: {  	[tilespmem:s31+$0x16830] =	vst v0  }
0x49: {  	[tilespmem:s31+$0x16840] =	vst v0  }
0x4a: {  	[tilespmem:s31+$0x16850] =	vst v0  }
0x4b: {  	[tilespmem:s31+$0x16860] =	vst v0;
	s31 =	sshra.s32 s2, $0x2;
	s2 =	sadd.s32 $0x200, s2  }
0x4c: {  	[tilespmem:s31+$0x16870] =	vst v0  }
0x4d: {  	[tilespmem:s31+$0x16800] =	vst v0  }
0x4e: {  	[tilespmem:s31+$0x16810] =	vst v0  }
0x4f: {  	[tilespmem:s31+$0x16820] =	vst v0  }
0x50: {  	[tilespmem:s31+$0x16830] =	vst v0  }
0x51: {  	[tilespmem:s31+$0x16840] =	vst v0  }
0x52: {  	[tilespmem:s31+$0x16850] =	vst v0  }
0x53: {  	[tilespmem:s31+$0x16860] =	vst v0  }
0x54: {  	[spmem:s5] =	stream.linear.scatter [tilespmem:s13], [sflag:$0x2], $0x4000, $0x38;
	[tilespmem:$0x1E800] =	vst v63  }
0x55: {  	_ = 	snop  }
0x56: {  	[spmem:s6] =	stream.linear.scatter [tilespmem:s13], [sflag:$0x2], $0x4000, $0x38;
	[tilespmem:$0x1E800] =	vst v63  }
0x57: {  	_ = 	snop  }
0x58: {  	[spmem:s7] =	stream.linear.scatter [tilespmem:s13], [sflag:$0x2], $0x4000, $0x38;
	[tilespmem:$0x1E800] =	vst v63  }
0x59: {  	_ = 	snop  }
0x5a: {  	[spmem:s8] =	stream.linear.scatter [tilespmem:s13], [sflag:$0x2], $0x4000, $0x38;
	[tilespmem:$0x1E800] =	vst v63  }
0x5b: {  	_ = 	snop  }
0x5c: {  	[spmem:s9] =	stream.linear.scatter [tilespmem:s13], [sflag:$0x2], $0x4000, $0x38;
	[tilespmem:$0x1E800] =	vst v63  }
0x5d: {  	_ =	swait.ge [sflag:s14], $0x4000  }
0x5e: {  	[sflag:s14] =	ssyncset.done $0x0  }
0x5f: {  	[sflag:s14] =	ssyncadd.s32 $0xFFFFC000  }
0x60: {  	_ =	swait.ge [sflag:s14], $0x4000  }
0x61: {  	[sflag:s14] =	ssyncset.done $0x0  }
0x62: {  	[sflag:s14] =	ssyncadd.s32 $0xFFFFC000  }
0x63: {  	_ =	swait.ge [sflag:s14], $0x4000  }
0x64: {  	[sflag:s14] =	ssyncset.done $0x0  }
0x65: {  	[sflag:s14] =	ssyncadd.s32 $0xFFFFC000  }
0x66: {  	_ =	swait.ge [sflag:s14], $0x4000  }
0x67: {  	[sflag:s14] =	ssyncset.done $0x0  }
0x68: {  	[sflag:s14] =	ssyncadd.s32 $0xFFFFC000  }
0x69: {  	_ =	swait.ge [sflag:s14], $0x4000  }
0x6a: {  	[sflag:s14] =	ssyncset.done $0x0  }
0x6b: {  	[sflag:s14] =	ssyncadd.s32 $0xFFFFC000  }
0x6c: {  	[bflag:$0x0] =	sbarrier.arrive $0xFFFF  }
0x6d: {  	[tilespmem:s15], [sflag:$0x3] =	stream.linear.gather [hbm4b:s10+s4], $0x1400, $0x38;
	[tilespmem:$0x1E800] =	vst v63  }
0x6e: {  	_ =	swait.ge [sflag:s16], $0x1400  }
0x6f: {  	[sflag:s16] =	ssyncset.done $0x0  }
0x70: {  	[sflag:s16] =	ssyncadd.s32 $0xFFFFEC00  }
0x71: {  	[tilespmem:s17], [sflag:$0x3] =	stream.linear.gather [hbm4b:s11+s4], $0x1400, $0x38;
	[tilespmem:$0x1E800] =	vst v63  }
0x72: {  	_ =	swait.ge [sflag:s16], $0x1400  }
0x73: {  	[sflag:s16] =	ssyncset.done $0x0  }
0x74: {  	[sflag:s16] =	ssyncadd.s32 $0xFFFFEC00  }
0x75: {  	[tilespmem:s13], [sflag:$0x1] =	stream.indirect.gather [hbm4b:s1+s18], $0x80, s15, s18, $0xb8;
	[tilespmem:$0x1E800] =	vst v63  }
0x76: {  	_ =	swait.ge [sflag:s19], $0x4000  }
0x77: {  	[sflag:s19] =	ssyncset.done $0x0  }
0x78: {  	[sflag:s19] =	ssyncadd.s32 $0xFFFFC000  }
0x79: {  	[spmem:s3] =	stream.indirect.scatter.add.f32 [tilespmem:s13], [sflag:$0x2], $0x80, s17, s18, $0xb8;
	[tilespmem:$0x1E800] =	vst v63  }
0x7a: {  	_ = 	snop  }
0x7b: {  	[tilespmem:s26], [sflag:$0x1] =	stream.indirect.gather [hbm4b:s1+s18], $0x80, s25, s18, $0xb8;
	[tilespmem:$0x1E800] =	vst v63  }
0x7c: {  	_ =	swait.ge [sflag:s14], $0x4000  }
0x7d: {  	[sflag:s14] =	ssyncset.done $0x0  }
0x7e: {  	[sflag:s14] =	ssyncadd.s32 $0xFFFFC000  }
0x7f: {  	_ =	swait.ge [sflag:s19], $0x4000  }
0x80: {  	[sflag:s19] =	ssyncset.done $0x0  }
0x81: {  	[sflag:s19] =	ssyncadd.s32 $0xFFFFC000  }
0x82: {  	[spmem:s3] =	stream.indirect.scatter.add.f32 [tilespmem:s26], [sflag:$0x2], $0x80, s28, s18, $0xb8;
	[tilespmem:$0x1E800] =	vst v63  }
0x83: {  	s31 =	simm.s32 $0xFFFFB800  }
0x84: {  	[tilespmem:s13], [sflag:$0x1] =	stream.indirect.gather [hbm4b:s1+s18], $0x80, s29, s18, $0xb8;
	[tilespmem:$0x1E800] =	vst v63  }
.LBB2_4:
0x85: {  	_ =	swait.ge [sflag:s14], $0x4000  }
0x86: {  	[sflag:s14] =	ssyncset.done $0x0  }
0x87: {  	[sflag:s14] =	ssyncadd.s32 $0xFFFFC000  }
0x88: {  	_ =	swait.ge [sflag:s19], $0x4000  }
0x89: {  	s2 =	sshra.s32 s31, $0x2;
	[sflag:s19] =	ssyncset.done $0x0  }
0x8a: {  	s0 =	sadd.s32 $0x16700, s2;
	[sflag:s19] =	ssyncadd.s32 $0xFFFFC000  }
0x8b: {  	[spmem:s3] =	stream.indirect.scatter.add.f32 [tilespmem:s13], [sflag:$0x2], $0x80, s0, s18, $0xb8;
	[tilespmem:$0x1E800] =	vst v63  }
0x8c: {  	s0 =	sadd.s32 $0x15380, s2  }
0x8d: {  	[tilespmem:s26], [sflag:$0x1] =	stream.indirect.gather [hbm4b:s1+s18], $0x80, s0, s18, $0xb8;
	[tilespmem:$0x1E800] =	vst v63  }
0x8e: {  	_ =	swait.ge [sflag:s14], $0x4000  }
0x8f: {  	p0 =	seq.s32 s31, $0x0;
	[sflag:s14] =	ssyncset.done $0x0  }
.Ltmp3:
0x90: {  	[sflag:s14] =	ssyncadd.s32 $0xFFFFC000;
	(pc) =	sbr.rel @p0 .LBB2_6-.Ltmp3, $4  }
0x91: {  	_ =	swait.ge [sflag:s19], $0x4000  }
0x92: {  	[sflag:s19] =	ssyncset.done $0x0  }
0x93: {  	s0 =	sadd.s32 $0x16780, s2;
	[sflag:s19] =	ssyncadd.s32 $0xFFFFC000  }
0x94: {  	[spmem:s3] =	stream.indirect.scatter.add.f32 [tilespmem:s26], [sflag:$0x2], $0x80, s0, s18, $0xb8;
	[tilespmem:$0x1E800] =	vst v63  }
.Ltmp4:
0x95: {  	(pc) =	sbr.rel .LBB2_4-.Ltmp4, $3  }
0x96: {  	_ =	sdelay $0x1  }
0x97: {  	s0 =	sadd.s32 $0x15400, s2;
	s31 =	sadd.s32 $0x400, s31  }
0x98: {  	[tilespmem:s13], [sflag:$0x1] =	stream.indirect.gather [hbm4b:s1+s18], $0x80, s0, s18, $0xb8;
	[tilespmem:$0x1E800] =	vst v63  }
.LBB2_6:
0x99: {  	_ =	swait.ge [sflag:s14], $0x4000  }
0x9a: {  	[sflag:s14] =	ssyncset.done $0x0  }
0x9b: {  	s0 =	sadd.s32 $0x280, s10;
	[sflag:s14] =	ssyncadd.s32 $0xFFFFC000  }
0x9c: {  	[tilespmem:s15], [sflag:$0x3] =	stream.linear.gather [hbm4b:s0+s4], $0x1400, $0x38;
	[tilespmem:$0x1E800] =	vst v63  }
0x9d: {  	_ =	swait.ge [sflag:s16], $0x1400  }
0x9e: {  	[sflag:s16] =	ssyncset.done $0x0  }
0x9f: {  	s2 =	sadd.s32 $0x280, s11;
	[sflag:s16] =	ssyncadd.s32 $0xFFFFEC00  }
0xa0: {  	[tilespmem:s17], [sflag:$0x3] =	stream.linear.gather [hbm4b:s2+s4], $0x1400, $0x38;
	[tilespmem:$0x1E800] =	vst v63  }
0xa1: {  	_ =	swait.ge [sflag:s16], $0x1400  }
0xa2: {  	[sflag:s16] =	ssyncset.done $0x0  }
0xa3: {  	[sflag:s16] =	ssyncadd.s32 $0xFFFFEC00  }
0xa4: {  	[tilespmem:s13], [sflag:$0x1] =	stream.indirect.gather [hbm4b:s1+s18], $0x80, s15, s18, $0xb8;
	[tilespmem:$0x1E800] =	vst v63  }
0xa5: {  	_ =	swait.ge [sflag:s19], $0x4000  }
0xa6: {  	[sflag:s19] =	ssyncset.done $0x0  }
0xa7: {  	[sflag:s19] =	ssyncadd.s32 $0xFFFFC000  }
0xa8: {  	[spmem:s3] =	stream.indirect.scatter.add.f32 [tilespmem:s13], [sflag:$0x2], $0x80, s17, s18, $0xb8;
	[tilespmem:$0x1E800] =	vst v63  }
0xa9: {  	_ = 	snop  }
0xaa: {  	[tilespmem:s26], [sflag:$0x1] =	stream.indirect.gather [hbm4b:s1+s18], $0x80, s25, s18, $0xb8;
	[tilespmem:$0x1E800] =	vst v63  }
0xab: {  	_ =	swait.ge [sflag:s14], $0x4000  }
0xac: {  	[sflag:s14] =	ssyncset.done $0x0  }
0xad: {  	[sflag:s14] =	ssyncadd.s32 $0xFFFFC000  }
0xae: {  	_ =	swait.ge [sflag:s19], $0x4000  }
0xaf: {  	[sflag:s19] =	ssyncset.done $0x0  }
0xb0: {  	[sflag:s19] =	ssyncadd.s32 $0xFFFFC000  }
0xb1: {  	[spmem:s3] =	stream.indirect.scatter.add.f32 [tilespmem:s26], [sflag:$0x2], $0x80, s28, s18, $0xb8;
	[tilespmem:$0x1E800] =	vst v63  }
0xb2: {  	s31 =	simm.s32 $0xFFFFB800  }
0xb3: {  	[tilespmem:s13], [sflag:$0x1] =	stream.indirect.gather [hbm4b:s1+s18], $0x80, s29, s18, $0xb8;
	[tilespmem:$0x1E800] =	vst v63  }
.LBB2_7:
0xb4: {  	_ =	swait.ge [sflag:s14], $0x4000  }
0xb5: {  	[sflag:s14] =	ssyncset.done $0x0  }
0xb6: {  	[sflag:s14] =	ssyncadd.s32 $0xFFFFC000  }
0xb7: {  	_ =	swait.ge [sflag:s19], $0x4000  }
0xb8: {  	s2 =	sshra.s32 s31, $0x2;
	[sflag:s19] =	ssyncset.done $0x0  }
0xb9: {  	s0 =	sadd.s32 $0x16700, s2;
	[sflag:s19] =	ssyncadd.s32 $0xFFFFC000  }
0xba: {  	[spmem:s3] =	stream.indirect.scatter.add.f32 [tilespmem:s13], [sflag:$0x2], $0x80, s0, s18, $0xb8;
	[tilespmem:$0x1E800] =	vst v63  }
0xbb: {  	s0 =	sadd.s32 $0x15380, s2  }
0xbc: {  	[tilespmem:s26], [sflag:$0x1] =	stream.indirect.gather [hbm4b:s1+s18], $0x80, s0, s18, $0xb8;
	[tilespmem:$0x1E800] =	vst v63  }
0xbd: {  	_ =	swait.ge [sflag:s14], $0x4000  }
0xbe: {  	p0 =	seq.s32 s31, $0x0;
	[sflag:s14] =	ssyncset.done $0x0  }
.Ltmp5:
0xbf: {  	[sflag:s14] =	ssyncadd.s32 $0xFFFFC000;
	(pc) =	sbr.rel @p0 .LBB2_9-.Ltmp5, $4  }
0xc0: {  	_ =	swait.ge [sflag:s19], $0x4000  }
0xc1: {  	[sflag:s19] =	ssyncset.done $0x0  }
0xc2: {  	s0 =	sadd.s32 $0x16780, s2;
	[sflag:s19] =	ssyncadd.s32 $0xFFFFC000  }
0xc3: {  	[spmem:s3] =	stream.indirect.scatter.add.f32 [tilespmem:s26], [sflag:$0x2], $0x80, s0, s18, $0xb8;
	[tilespmem:$0x1E800] =	vst v63  }
.Ltmp6:
0xc4: {  	(pc) =	sbr.rel .LBB2_7-.Ltmp6, $3  }
0xc5: {  	_ =	sdelay $0x1  }
0xc6: {  	s0 =	sadd.s32 $0x15400, s2;
	s31 =	sadd.s32 $0x400, s31  }
0xc7: {  	[tilespmem:s13], [sflag:$0x1] =	stream.indirect.gather [hbm4b:s1+s18], $0x80, s0, s18, $0xb8;
	[tilespmem:$0x1E800] =	vst v63  }
.LBB2_10:
0xc8: {  	_ =	sfence.sel $0x180000  }
0xc9: {  	[bflag:$0x0] =	sbarrier.arrive $0xFFFF  }
0xca: {  	_ =	strace $0x9000004A  }
0xcb: {  	s0 =	stileid.u32;
	[bflag:$0x2] =	sbarrier.arrive $0xFFFF  }
0xcc: {  	p0 =	sne.s32 s0, $0x0;
	s0 =	rddreg [dreg:$0x4]  }
0xcd: {  	s0 =	sadd.s32 @!p0 $0x100000, s0  }
0xce: {  	[sflag:s0] =	ssyncadd.tile.s32 @!p0 $0x1;
	_ =	shalt  }
.Lfunc_end2:
_tile_overlayer_lowered:
.L_overlay_start_2:
0xcf: {  	(tag) =	ssettag $0x2  }
0xd0: {  	s0 =	rddreg [dreg:$0x0];
	s2 =	stileid.u32  }
0xd1: {  	s1 =	rddreg [dreg:$0x1];
	p0 =	sne.s32 s2, $0x0  }
0xd2: {  	s3 =	rddreg [dreg:$0x2];
	[bflag:$0x3] =	sbarrier.arrive $0xFFFF;
	s2 =	simm.s32 @!p0 $0x1C03  }
0xd3: {  	[timem:s3], [sflag:s2] =	dma.local @!p0 [hbm:s0], s1  }
0xd4: {  	s0 =	simm.s32 @!p0 $0x3  }
0xd5: {  	_ =	swait.ge @!p0 [sflag:s0], s1  }
0xd6: {  	s1 =	ssub.s32 @!p0 $0x0, s1;
	[sflag:s0] =	ssyncset.done @!p0 $0x0  }
0xd7: {  	[sflag:s0] =	ssyncadd.s32 @!p0 s1  }
0xd8: {  	[bflag:$0x3] =	sbarrier.arrive $0xFFFF  }
0xd9: {  	_ =	shalt  }

// kernel: kernel.8.cloned.1.call-start
scs
__scs_entry_jumppad:
0x0: {  	(pc) =	sbr.rel $0x88, $3  }
0x1: {  	(tag) =	ssettag $0x0;
	lr =	simm.s32 $0x1  }
0x2: {  	[smem:$0x3F9C] =	sst lr;
	_ =	strace $0xD0000000  }
0x3: {  	_ = 	snop  }
0x4: {  	_ = 	snop  }
0x5: {  	_ = 	snop  }
0x6: {  	_ = 	snop  }
0x7: {  	_ = 	snop  }
__scs_overlays_trampoline_lowered:
0x8: {  	[smem:$0x3FAB] =	sst s0  }
0x9: {  	[smem:$0x3FAC] =	sst s1  }
0xa: {  	[smem:$0x3FAD] =	sst s2  }
0xb: {  	[smem:$0x3FAE] =	sst s3  }
0xc: {  	[smem:$0x3FAF] =	sst s4  }
0xd: {  	[smem:$0x3FB0] =	sst s5  }
0xe: {  	[smem:$0x3FB1] =	sst s6  }
0xf: {  	[smem:$0x3FB2] =	sst s7  }
0x10: {  	[smem:$0x3FB3] =	sst s8  }
0x11: {  	[smem:$0x3FB4] =	sst s9;
	s0 =	simm.s32 @!p0 $0x0  }
0x12: {  	s1 =	sld [smem:$0x3F9A];
	s0 =	simm.s32 @p0 $0x1  }
0x13: {  	[smem:$0x3FB5] =	sst s0;
	s0 =	simm.s32 @!p1 $0x0  }
0x14: {  	s2 =	sld [smem:$0x3F99];
	s0 =	simm.s32 @p1 $0x1  }
0x15: {  	[smem:$0x3FB6] =	sst s0;
	s0 =	simm.s32 @!p2 $0x0  }
0x16: {  	s3 =	sld [smem:$0x3FDB];
	s0 =	simm.s32 @p2 $0x1  }
0x17: {  	s4 =	simm.s32 $0x1BF5;
	[smem:$0x3FB8] =	sst s0  }
0x18: {  	s0 =	sld [smem:$0x3F9B];
	_ =	swait.ge [sflag:s4], $0x0  }
0x19: {  	s7 =	sld [smem:$0x3F9C]  }
0x1a: {  	s8 =	sadd.s32 $0xFFFFE003, lr  }
0x1b: {  	s9 =	sadd.s32 $0xFFFFFEF7, lr;
	s5 =	simm.s32 $0xFFFFFFFF;
	p2 =	slt.u32 s8, $0xFFFFF086  }
0x1c: {  	p1 =	slt.u32 s9, $0xF7A;
	s5 =	simm.s32 @!p2 $0x0  }
0x1d: {  	s5 =	simm.s32 @p1 $0x1;
	p0 =	seq.s32 s7, s2  }
0x1e: {  	s7 =	smul.u32 @!p0 $0xF7A, s2;
	p2 =	seq.s32 @!p0 s5, $0x0  }
0x1f: {  	s9 =	smul.u32 $0xF7A, s1;
	s8 =	simm.s32 @!p0 $0x1BF5;
	p2 =	por !p2, p0  }
0x20: {  	[sflag:s8] =	ssyncset.s32 @!p0 $0xFFFFF086;
	s6 =	sadd.s32 @!p0 s3, s7;
	s7 =	simm.s32 @!p0 $0x108  }
0x21: {  	s3 =	sadd.s32 s3, s9;
	s6 =	sadd.s32 @!p0 $0x88, s6;
	s7 =	simm.s32 @p2 $0x1082  }
0x22: {  	[simem:s7], [sflag:s8] =	dma.local @!p0 [hbm:s6], $0xF7A  }
0x23: {  	s9 =	sor.u32 $0xD0000000, s2;
	s6 =	simm.s32 $0x108;
	_ =	swait.ge @!p0 [sflag:s8], $0x0  }
0x24: {  	s3 =	sadd.s32 $0x88, s3;
	s6 =	simm.s32 @!p1 $0x1082;
	[sflag:s4] =	ssyncset.s32 $0xFFFFF086  }
0x25: {  	[simem:s6], [sflag:s4] =	dma.local [hbm:s3], $0xF7A  }
0x26: {  	[smem:$0x3F9C] =	sst s1;
	(tag) =	ssettag s2;
	_ =	strace s9  }
0x27: {  	s1 =	sld [smem:$0x3FAC]  }
0x28: {  	s2 =	sld [smem:$0x3FAD]  }
0x29: {  	s4 =	sld [smem:$0x3FAF]  }
0x2a: {  	p0 =	seq.s32 s5, $0x0;
	s5 =	sld [smem:$0x3FB0]  }
0x2b: {  	s6 =	sld [smem:$0x3FB1]  }
0x2c: {  	s7 =	sld [smem:$0x3FB2]  }
0x2d: {  	s3 =	simm.s32 $0x108;
	s8 =	sld [smem:$0x3FB3]  }
0x2e: {  	s3 =	simm.s32 @!p0 $0x1082;
	s9 =	sld [smem:$0x3FB4]  }
0x2f: {  	lr =	sadd.s32 s0, s3;
	s0 =	sld [smem:$0x3FAB]  }
0x30: {  	s3 =	sld [smem:$0x3FAE]  }
0x31: {  	[smem:$0x3FB7] =	sst s10  }
0x32: {  	s10 =	sld [smem:$0x3FB5];
	_ =	sdelay $0x3  }
0x33: {  	p0 =	seq.s32 s10, $0x1;
	s10 =	sld [smem:$0x3FB7];
	_ =	sdelay $0x3  }
0x34: {  	[smem:$0x3FB7] =	sst s10  }
0x35: {  	s10 =	sld [smem:$0x3FB6];
	_ =	sdelay $0x3  }
0x36: {  	p1 =	seq.s32 s10, $0x1;
	s10 =	sld [smem:$0x3FB7];
	_ =	sdelay $0x3  }
0x37: {  	[smem:$0x3FB7] =	sst s10  }
0x38: {  	s10 =	sld [smem:$0x3FB8]  }
0x39: {  	_ = 	snop;
	(pc) =	sbr.ind lr, $3  }
0x3a: {  	_ = 	snop  }
0x3b: {  	_ = 	snop  }
0x3c: {  	p2 =	seq.s32 s10, $0x1;
	s10 =	sld [smem:$0x3FB7]  }
0x3d: {  	_ =	shalt  }
0x3e: {  	_ =	shalt  }
0x3f: {  	_ =	shalt  }
0x40: {  	_ =	shalt  }
0x41: {  	_ =	shalt  }
0x42: {  	_ =	shalt  }
0x43: {  	_ =	shalt  }
0x44: {  	_ =	shalt  }
0x45: {  	_ =	shalt  }
0x46: {  	_ =	shalt  }
0x47: {  	_ =	shalt  }
0x48: {  	_ =	shalt  }
0x49: {  	_ =	shalt  }
0x4a: {  	_ =	shalt  }
0x4b: {  	_ =	shalt  }
0x4c: {  	_ =	shalt  }
0x4d: {  	_ =	shalt  }
0x4e: {  	_ =	shalt  }
0x4f: {  	_ =	shalt  }
0x50: {  	_ =	shalt  }
0x51: {  	_ =	shalt  }
0x52: {  	_ =	shalt  }
0x53: {  	_ =	shalt  }
0x54: {  	_ =	shalt  }
0x55: {  	_ =	shalt  }
0x56: {  	_ =	shalt  }
0x57: {  	_ =	shalt  }
0x58: {  	_ =	shalt  }
0x59: {  	_ =	shalt  }
0x5a: {  	_ =	shalt  }
0x5b: {  	_ =	shalt  }
0x5c: {  	_ =	shalt  }
0x5d: {  	_ =	shalt  }
0x5e: {  	_ =	shalt  }
0x5f: {  	_ =	shalt  }
0x60: {  	_ =	shalt  }
0x61: {  	_ =	shalt  }
0x62: {  	_ =	shalt  }
0x63: {  	_ =	shalt  }
0x64: {  	_ =	shalt  }
0x65: {  	_ =	shalt  }
0x66: {  	_ =	shalt  }
0x67: {  	_ =	shalt  }
0x68: {  	_ =	shalt  }
0x69: {  	_ =	shalt  }
0x6a: {  	_ =	shalt  }
0x6b: {  	_ =	shalt  }
0x6c: {  	_ =	shalt  }
0x6d: {  	_ =	shalt  }
0x6e: {  	_ =	shalt  }
0x6f: {  	_ =	shalt  }
0x70: {  	_ =	shalt  }
0x71: {  	_ =	shalt  }
0x72: {  	_ =	shalt  }
0x73: {  	_ =	shalt  }
0x74: {  	_ =	shalt  }
0x75: {  	_ =	shalt  }
0x76: {  	_ =	shalt  }
0x77: {  	_ =	shalt  }
0x78: {  	_ =	shalt  }
0x79: {  	_ =	shalt  }
0x7a: {  	_ =	shalt  }
0x7b: {  	_ =	shalt  }
0x7c: {  	_ =	shalt  }
0x7d: {  	_ =	shalt  }
0x7e: {  	_ =	shalt  }
0x7f: {  	_ =	shalt  }
0x80: {  	_ =	shalt  }
0x81: {  	_ =	shalt  }
0x82: {  	_ =	shalt  }
0x83: {  	_ =	shalt  }
0x84: {  	_ =	shalt  }
0x85: {  	_ =	shalt  }
0x86: {  	_ =	shalt  }
0x87: {  	_ =	shalt  }
.Lfunc_end0:
.L_simem_size_0:
called_computation.1_lowered:
.L_overlay_start_0:
0x88: {  	s2 =	sld [smem:$0x3FD9]  }
0x89: {  	s3 =	sld [smem:$0x3FFE];
	_ =	sdelay $0x1  }
0x8a: {  	s1 =	srdreg.scid  }
0x8b: {  	s0 =	sand.u32 $0x1, s1  }
0x8c: {  	s16 =	sshll.u32 s0, $0xA;
	s2 =	sadd.s32 s3, s2  }
0x8d: {  	s2 =	sadd.s32 s2, s16  }
0x8e: {  	[smem:$0x3FC3] =	sst s2  }
0x8f: {  	_ = 	snop  }
0x90: {  	(tm) =	ssettm $0x1  }
0x91: {  	s17 =	sld [smem:$0x3FFB];
	_ =	sdelay $0x3  }
0x92: {  	_ =	strace s17  }
0x93: {  	s2 =	sld [smem:$0x3FFC];
	_ =	sdelay $0x3  }
0x94: {  	_ =	strace s2  }
0x95: {  	s2 =	sld [smem:$0x3FFD];
	_ =	sdelay $0x3  }
0x96: {  	_ =	strace s2  }
0x97: {  	_ =	strace $0x8FFFFFFF  }
0x98: {  	s18 =	sld [smem:$0x3FDB];
	_ =	sdelay $0x1  }
0x99: {  	s19 =	simm.s32 $_scs_section_size  }
0x9a: {  	s4 =	simm.s32 $_size__tile_overlayer_lowered;
	s5 =	simm.s32 $_tile_overlayer_lowered  }
0x9b: {  	s22 =	simm.s32 $0x1BFF;
	s21 =	sshll.u32 s5, $0x1;
	s2 =	sadd.s32 s19, s18  }
0x9c: {  	s6 =	simm.s32 $0x0;
	s20 =	sshll.u32 s4, $0x1;
	s4 =	sadd.s32 s21, s2  }
0x9d: {  	[timem:s6], [sflag:s22] =	dma.local [hbm:s4], s20  }
0x9e: {  	_ =	swait.ge [sflag:s22], s20  }
0x9f: {  	s3 =	ssub.s32 $0x0, s20;
	[sflag:s22] =	ssyncset.done $0x0  }
0xa0: {  	[sflag:s22] =	ssyncadd.s32 s3;
	_ =	sdelay $0x1  }
0xa1: {  	s23 =	simm.s32 $0x1B8B  }
0xa2: {  	_ =	swait.ge [sflag:s23], $0x1  }
0xa3: {  	[sflag:s23] =	ssyncset.done $0x0  }
0xa4: {  	s25 =	simm.s32 $0x1B8E;
	s24 =	sld [smem:$0x3FFE];
	[sflag:s23] =	ssyncadd.s32 $0xFFFFFFFF  }
0xa5: {  	s26 =	simm.s32 $execute0_lowered;
	[smem:$0x3FD2] =	sst s25  }
0xa6: {  	s4 =	sshll.u32 s26, $0x1;
	_ =	strace $0x80000046;
	[dreg:$0x1] =	wrdreg $0xFFFFFFFF  }
0xa7: {  	s28 =	simm.s32 $_size_execute0_lowered;
	s2 =	sadd.s32 s2, s4;
	[dreg:$0x0] =	wrdreg $0x0  }
0xa8: {  	s4 =	sshll.u32 s28, $0x1;
	[dreg:$0x2] =	wrdreg s2  }
0xa9: {  	[dreg:$0x3] =	wrdreg s4  }
0xaa: {  	[dreg:$0x4] =	wrdreg $0xC0  }
0xab: {  	_ =	task [dreg:s6], $0x5FFFF  }
0xac: {  	[dreg:$0x1] =	wrdreg $0xFFFFFFFF  }
0xad: {  	[dreg:$0x0] =	wrdreg $0x60  }
0xae: {  	[dreg:$0x2] =	wrdreg s24  }
0xaf: {  	[dreg:$0x3] =	wrdreg $0xA  }
0xb0: {  	_ =	task.clear_ibuf [dreg:s6], $0x4FFFF;
	_ =	strace $0x90000046  }
0xb1: {  	s29 =	simm.s32 $0xA;
	_ =	strace $0x80000048  }
0xb2: {  	_ =	swait.ge [sflag:s29], $0x1  }
0xb3: {  	[sflag:s29] =	ssyncadd.s32 $0xFFFFFFFF  }
0xb4: {  	_ =	strace $0x90000048  }
0xb5: {  	_ =	sfence  }
0xb6: {  	s30 =	sld [smem:$0x0];
	_ =	sdelay $0x2  }
0xb7: {  	s31 =	sshll.u32 s1, $0xD;
	s1 =	sshrl.u32 s1, $0x2  }
0xb8: {  	s3 =	sand.u32 $0x4000, s31;
	s1 =	sadd.s32 s1, s30  }
0xb9: {  	s0 =	sor.u32 s3, s0;
	s1 =	sshll.u32 s1, $0x11  }
0xba: {  	s0 =	sor.u32 s1, s0  }
0xbb: {  	s0 =	sadd.s32 $0x8F2B, s0  }
0xbc: {  	[sflag:s0] =	ssyncadd.remote.s32 $0x1  }
0xbd: {  	_ =	sfence.sel $0xFFFF  }
0xbe: {  	[dreg:$0x0] =	wrdreg $0xFFFFFFFF;
	(pc) =	sbr.abs _section_cstart, $3  }
0xbf: {  	[dreg:$0x1] =	wrdreg $0xFFFFFFFF  }
0xc0: {  	_ =	task.clear_ibuf [dreg:s6], $0x2FFFF;
	_ =	strace $0x9FFFFFFF  }
0xc1: {  	(tm) =	ssettm $0x7FFFFFFF  }
tec
execute0_lowered:
.L_overlay_start_1:
0x0: {  	(tag) =	ssettag $0x1  }
0x1: {  	s0 =	srdreg.scid  }
0x2: {  	s4 =	rddreg [dreg:$0x0];
	s2 =	simm.s32 $0x0;
	s3 =	sand.u32 $0x1, s0  }
0x3: {  	s9 =	simm.s32 $0x1;
	s0 =	stileid.u32;
	s1 =	sshll.u32 s3, $0x4  }
0x4: {  	s10 =	simm.s32 $0x1400;
	s11 =	simm.s32 $0x400;
	s5 =	sor.u32 s0, s1  }
0x5: {  	[smem:$0x7FF] =	sst s2;
	s7 =	sshll.u32 s0, $0x7;
	s6 =	sshrl.u32 s5, $0x3  }
0x6: {  	s3 =	ssub.s32 $0x2, s3;
	s1 =	rddreg [dreg:$0x1];
	s6 =	smul.u32 $0x14000, s6  }
0x7: {  	s7 =	sand.u32 $0x380, s7;
	s30 =	sshrl.u32 s3, $0x1;
	s5 =	smul.u32 $0x500, s5  }
0x8: {  	_ =	strace $0x80000047;
	s31 =	ssub.s32 s3, s30;
	s6 =	sor.u32 s7, s6  }
0x9: {  	s8 =	sadd.s32 s5, s4;
	s5 =	smax.u32 s31, $0x1;
	s6 =	sshrl.u32 s6, $0x3  }
0xa: {  	s3 =	sadd.s32 $0xB600, s8;
	s7 =	simm.s32 $0x80;
	s4 =	sadd.s32 s6, s4  }
0xb: {  	v0 =	vimm.f32 $0.0e+00;
	v1 =	vimm.f32 $1.000000000e+00;
	s6 =	sadd.s32 $0xB610, s8;
	s8 =	simm.s32 $0x100;
	s4 =	sadd.s32 $0x15600, s4  }
.LBB2_1:
0xc: {  	s12 =	simm.s32 $0x40;
	s13 =	simm.s32 $0x0  }
.LBB2_2:
0xd: {  	p0 =	sne.s32 s12, $0x9FC0;
	[tilespmem:s13+$0x1400] =	vst v0;
	s13 =	smov.u32 s12;
	s12 =	sadd.s32 $0x40, s12  }
.Ltmp0:
0xe: {  	(pc) =	sbr.rel @p0 .LBB2_2-.Ltmp0, $2  }
0xf: {  	_ =	sdelay $0x2  }
0x10: {  	s13 =	sshra.s32 s13, $0x2  }
0x11: {  	[tilespmem:s13+$0x1400] =	vst v0;
	s12 =	simm.s32 $0x0  }
0x12: {  	[tilespmem:s12], [sflag:$0x1] =	stream.strided.gather [hbm4b:s3+s7], $0x1400, s8, s7, $0x38;
	[tilespmem:$0x3C00] =	vst v63  }
0x13: {  	_ =	swait.ge [sflag:s9], $0x1400  }
0x14: {  	[sflag:s9] =	ssyncset.done $0x0  }
0x15: {  	s13 =	simm.s32 $0x0;
	s12 =	simm.s32 $0x40;
	[sflag:s9] =	ssyncadd.s32 $0xFFFFEC00  }
.LBB2_4:
0x16: {  	p0 =	sne.s32 s12, $0x4FC0;
	v2 =	vld [tilespmem:s13+$0x0];
	_ =	sdelay $0x3  }
.Ltmp1:
0x17: {  	(pc) =	sbr.rel @p0 .LBB2_4-.Ltmp1, $2  }
0x18: {  	_ =	sdelay $0x2  }
0x19: {  	s13 =	sshra.s32 s12, $0x2;
	s12 =	sadd.s32 $0x40, s12;
	[tilespmem:v2+s10+$0x0] =	vst.idx.add.f32.msk $0xffff, v1  }
0x1a: {  	v2 =	vld [tilespmem:s13+$0x0];
	_ =	sdelay $0x7  }
0x1b: {  	s12 =	simm.s32 $0x0;
	[tilespmem:v2+s10+$0x0] =	vst.idx.add.f32.msk $0xffff, v1  }
0x1c: {  	[tilespmem:s12], [sflag:$0x1] =	stream.strided.gather [hbm4b:s6+s7], $0x1400, s8, s7, $0x38;
	[tilespmem:$0x3C00] =	vst v63  }
0x1d: {  	_ =	swait.ge [sflag:s9], $0x1400  }
0x1e: {  	[sflag:s9] =	ssyncset.done $0x0  }
0x1f: {  	s13 =	simm.s32 $0x0;
	s12 =	simm.s32 $0x40;
	[sflag:s9] =	ssyncadd.s32 $0xFFFFEC00  }
.LBB2_6:
0x20: {  	p0 =	sne.s32 s12, $0x4FC0;
	v2 =	vld [tilespmem:s13+$0x0];
	_ =	sdelay $0x3  }
.Ltmp2:
0x21: {  	(pc) =	sbr.rel @p0 .LBB2_6-.Ltmp2, $2  }
0x22: {  	_ =	sdelay $0x2  }
0x23: {  	s13 =	sshra.s32 s12, $0x2;
	s12 =	sadd.s32 $0x40, s12;
	[tilespmem:v2+s10+$0x0] =	vst.idx.add.f32.msk $0xffff, v1  }
0x24: {  	v2 =	vld [tilespmem:s13+$0x0];
	_ =	sdelay $0x5  }
0x25: {  	s2 =	sadd.s32 $0x1, s2  }
0x26: {  	p0 =	sne.s32 s2, s5  }
.Ltmp3:
0x27: {  	[tilespmem:v2+s10+$0x0] =	vst.idx.add.f32.msk $0xffff, v1;
	(pc) =	sbr.rel @p0 .LBB2_1-.Ltmp3, $4  }
0x28: {  	[hbm4b:s4+s7] =	stream.strided.scatter [tilespmem:s10], [sflag:$0x1], $0x2800, s11, s7, $0x38;
	[tilespmem:$0x3C00] =	vst v63  }
0x29: {  	_ =	swait.ge [sflag:s9], $0x2800  }
0x2a: {  	[sflag:s9] =	ssyncset.done $0x0  }
0x2b: {  	[sflag:s9] =	ssyncadd.s32 $0xFFFFD800  }
0x2c: {  	_ =	sfence.sel $0x180000  }
0x2d: {  	[bflag:$0x0] =	sbarrier.arrive $0xFFFF  }
0x2e: {  	p0 =	sne.s32 s0, $0x0;
	_ =	strace $0x90000047  }
0x2f: {  	s0 =	sadd.s32 @!p0 $0x100000, s1;
	[bflag:$0x2] =	sbarrier.arrive $0xFFFF  }
0x30: {  	[sflag:s0] =	ssyncadd.tile.s32 @!p0 $0x1;
	_ =	shalt  }
.Lfunc_end2:
_tile_overlayer_lowered:
.L_overlay_start_2:
0x31: {  	(tag) =	ssettag $0x2  }
0x32: {  	s0 =	rddreg [dreg:$0x0];
	s2 =	stileid.u32  }
0x33: {  	s1 =	rddreg [dreg:$0x1];
	p0 =	sne.s32 s2, $0x0  }
0x34: {  	s3 =	rddreg [dreg:$0x2];
	[bflag:$0x3] =	sbarrier.arrive $0xFFFF;
	s2 =	simm.s32 @!p0 $0x1C01  }
0x35: {  	[timem:s3], [sflag:s2] =	dma.local @!p0 [hbm:s0], s1  }
0x36: {  	s0 =	simm.s32 @!p0 $0x1  }
0x37: {  	_ =	swait.ge @!p0 [sflag:s0], s1  }
0x38: {  	s1 =	ssub.s32 @!p0 $0x0, s1;
	[sflag:s0] =	ssyncset.done @!p0 $0x0  }
0x39: {  	[sflag:s0] =	ssyncadd.s32 @!p0 s1  }
0x3a: {  	[bflag:$0x3] =	sbarrier.arrive $0xFFFF  }
0x3b: {  	_ =	shalt  }

</sc_bundles>
